<compile_context>
chip_gen: v7x
topology: tpu7x:2x2x1
jax: 0.10.2.dev20260603
libtpu: 0.0.44.dev20260713+nightly
codegen_flags: <defaults>
</compile_context>

<pallas_src>
import functools

import numpy as np
import jax
import jax.numpy as jnp
from jax import lax
from jax.experimental import pallas as pl
from jax.experimental.pallas import tpu as pltpu
from jax.experimental.pallas import tpu_sc as plsc

_NC, _NS, _L = 2, 16, 16
_NW = _NC * _NS
_NBINS = 32
_NCODES = 16
_HSIZE = _NCODES * _NCODES * _NBINS

_MAGIC = (1 << 24) | (1 << 17) | (1 << 10) | (1 << 3)

_r = np.arange(_NCODES)[:, None]
_q = np.arange(_NCODES * _NCODES)[None, :]
_W_NP = ((((_q // _NCODES) >> (_r // 4)) & 1) * (((_q % _NCODES) >> (_r % 4)) & 1)).astype(np.float32)


def _unpack_body(h_ref, w_ref, s_ref, o_ref):
    hs = jnp.sum(h_ref[...], axis=0)
    o_ref[...] = lax.dot_general(
        w_ref[...], hs, (((1,), (0,)), ((), ())),
        preferred_element_type=jnp.float32,
        precision=lax.Precision.HIGHEST) * s_ref[0, 0]


def _sc_hist(pair_first, pair_second, pair_dist, words):
    ntab = words.shape[0]
    p = pair_first.shape[0]
    pt = p // _NW
    chunk = 2000
    assert p % _NW == 0 and pt % chunk == 0 and chunk % _L == 0

    mesh = plsc.VectorSubcoreMesh(core_axis_name="c", subcore_axis_name="s")

    nchunk = pt // chunk

    @functools.partial(
        pl.kernel,
        mesh=mesh,
        out_type=jax.ShapeDtypeStruct((_NW, _HSIZE), jnp.float32),
        compiler_params=pltpu.CompilerParams(needs_layout_passes=False),
        scratch_types=[
            pltpu.VMEM((ntab,), jnp.int32),
            pltpu.VMEM((_HSIZE,), jnp.float32),
            pltpu.VMEM((chunk,), jnp.int32),
            pltpu.VMEM((chunk,), jnp.int32),
            pltpu.VMEM((chunk,), jnp.int32),
            pltpu.VMEM((chunk,), jnp.int32),
            pltpu.VMEM((chunk,), jnp.float32),
            pltpu.VMEM((chunk,), jnp.float32),
            pltpu.SemaphoreType.DMA,
            pltpu.SemaphoreType.DMA,
            pltpu.SemaphoreType.DMA,
            pltpu.VMEM_SHARED((ntab,), jnp.int32),
        ],
    )
    def body(first_hbm, second_hbm, dist_hbm, words_hbm, out_hbm,
             tab, hist, fb0, fb1, sb0, sb1, db0, db1, sem0, sem1, semt,
             shared_tab):
        fbs, sbs, dbs, sems = (fb0, fb1), (sb0, sb1), (db0, db1), (sem0, sem1)
        sid = lax.axis_index("s")
        wid = sid * _NC + lax.axis_index("c")
        base = wid * pt

        def start_chunk(ci, slot):
            off = base + ci * chunk
            pltpu.async_copy(first_hbm.at[pl.ds(off, chunk)], fbs[slot], sems[slot])
            pltpu.async_copy(second_hbm.at[pl.ds(off, chunk)], sbs[slot], sems[slot])
            pltpu.async_copy(dist_hbm.at[pl.ds(off, chunk)], dbs[slot], sems[slot])

        def drain_chunk(slot):
            pltpu.make_async_copy(first_hbm.at[pl.ds(0, chunk)], fbs[slot], sems[slot]).wait()
            pltpu.make_async_copy(second_hbm.at[pl.ds(0, chunk)], sbs[slot], sems[slot]).wait()
            pltpu.make_async_copy(dist_hbm.at[pl.ds(0, chunk)], dbs[slot], sems[slot]).wait()

        slice_w = ((ntab + _NS - 1) // _NS + 7) & ~7
        tail_w = ntab - (_NS - 1) * slice_w
        assert 0 < tail_w <= slice_w
        start_chunk(0, 0)
        soff = sid * slice_w

        @pl.when(sid < _NS - 1)
        def _():
            pltpu.async_copy(words_hbm.at[pl.ds(soff, slice_w)],
                             tab.at[pl.ds(soff, slice_w)], semt).wait()
            pltpu.sync_copy(tab.at[pl.ds(soff, slice_w)],
                            shared_tab.at[pl.ds(soff, slice_w)])

        @pl.when(sid == _NS - 1)
        def _():
            toff = (_NS - 1) * slice_w
            pltpu.async_copy(words_hbm.at[pl.ds(toff, tail_w)],
                             tab.at[pl.ds(toff, tail_w)], semt).wait()
            pltpu.sync_copy(tab.at[pl.ds(toff, tail_w)],
                            shared_tab.at[pl.ds(toff, tail_w)])

        zeros = jnp.zeros((_L,), jnp.float32)

        def zero_body(i, carry):
            hist[pl.ds(i * _L, _L)] = zeros
            return carry
        lax.fori_loop(0, _HSIZE // _L, zero_body, 0, unroll=8)

        plsc.subcore_barrier()
        pltpu.sync_copy(shared_tab, tab)

        ones = jnp.ones((_L,), jnp.float32)
        grp = 5
        assert chunk % (grp * _L) == 0
        magic = jnp.int32(_MAGIC)

        def scatter_batch(batch):
            for idx, k in batch:
                plsc.addupdate_scatter(hist, [idx], ones,
                                       mask=(k >= 0) & (k < _NBINS))

        def process_chunk(slot):
            fb, sb, db = fbs[slot], sbs[slot], dbs[slot]

            def step(j, prev):
                batch = []
                for g in range(grp):
                    off = (j * grp + g) * _L
                    f = fb[pl.ds(off, _L)]
                    s = sb[pl.ds(off, _L)]
                    d = db[pl.ds(off, _L)]
                    wf = plsc.load_gather(tab, [f])
                    ws = plsc.load_gather(tab, [s])
                    cf512 = ((wf * magic) >> 15) & (15 << 9)
                    cs32 = ((ws * magic) >> 19) & (15 << 5)
                    k = (d * jnp.float32(_NBINS)).astype(jnp.int32)
                    idx = (cf512 | cs32) | k
                    batch.append((idx, k))
                scatter_batch(prev)
                return tuple(batch)

            nok = jnp.full((_L,), -1, jnp.int32)
            init = tuple((jnp.zeros((_L,), jnp.int32), nok) for _ in range(grp))
            last = lax.fori_loop(0, chunk // (grp * _L), step, init)
            scatter_batch(last)

        def outer(ci2, carry):
            for b in (0, 1):
                ci = ci2 * 2 + b
                drain_chunk(b)
                nci = ci + 1

                @pl.when(nci < nchunk)
                def _():
                    start_chunk(nci, 1 - b)

                process_chunk(b)
            return carry

        lax.fori_loop(0, nchunk // 2, outer, 0)
        if nchunk % 2:
            drain_chunk(0)
            process_chunk(0)
        pltpu.sync_copy(hist, out_hbm.at[wid])

    return body(pair_first, pair_second, pair_dist, words)


def kernel(pair_dist, pair_first, pair_second, one_hot, n_molecules):
    n_atoms, n_species = one_hot.shape
    pair_first = pair_first.astype(jnp.int32)
    pair_second = pair_second.astype(jnp.int32)
    pair_dist = pair_dist.astype(jnp.float32)

    words = lax.bitcast_convert_type(one_hot.astype(jnp.uint8), jnp.int32)

    part = _sc_hist(pair_first, pair_second, pair_dist, words)

    inv = (jnp.float32(1.0) / jnp.asarray(n_molecules, jnp.float32)).reshape(1, 1)
    w = jnp.asarray(_W_NP)
    rdf = pl.pallas_call(
        _unpack_body,
        out_shape=jax.ShapeDtypeStruct((_NCODES, _NBINS), jnp.float32),
    )(part.reshape(_NW, _NCODES * _NCODES, _NBINS), w, inv)
    return rdf.reshape(1, n_species, n_species, _NBINS)

# --- scband reference (transcript-rebuilt; emitter-appended) ---
"""Pipeline reference for scband-rdfbins-61787399520645 (READ-ONLY COPY).

The authoritative reference and input builder live on the scoring server;
editing this copy changes nothing except your own understanding.
"""

import jax, jax.numpy as jnp
import numpy as np

BINS = jnp.asarray(np.linspace(0.0, 1.0, 33), dtype=jnp.float32)
N_PAIRS = 3_200_000
N_ATOMS = 100_000
N_SPECIES = 4


def setup_inputs(seed: int = 0) -> dict:
    key = jax.random.key(seed)
    k1, k2, k3, k4 = jax.random.split(key, 4)
    pair_dist = jax.random.uniform(k1, (N_PAIRS,), dtype=jnp.float32)
    pair_first = jax.random.randint(k2, (N_PAIRS,), 0, N_ATOMS, dtype=jnp.int64 if jax.config.jax_enable_x64 else jnp.int32)
    pair_second = jax.random.randint(k3, (N_PAIRS,), 0, N_ATOMS, dtype=jnp.int64 if jax.config.jax_enable_x64 else jnp.int32)
    one_hot = jax.random.randint(k4, (N_ATOMS, N_SPECIES), 0, 2).astype(bool)
    return {
        "pair_dist": pair_dist,
        "pair_first": pair_first,
        "pair_second": pair_second,
        "one_hot": one_hot,
        "n_molecules": 64,
    }


def reference(pair_dist, pair_first, pair_second, one_hot, n_molecules):
    bins = BINS.astype(pair_dist.dtype)
    n_species = one_hot.shape[-1]
    n_bins = bins.shape[0] - 1
    # gather species membership for each pair endpoint
    oh_first = jnp.take(one_hot, pair_first, axis=0)   # [P, S] bool
    oh_second = jnp.take(one_hot, pair_second, axis=0)  # [P, S] bool
    # less[p, b] = pair_dist[p] < bins[b]  (same comparison as torch version)
    less = pair_dist[:, None] < bins[None, :]           # [P, n_bins+1] bool
    rows = []
    for i in range(n_species):
        row = []
        for j in range(n_species):
            mask = oh_first[:, i] & oh_second[:, j]     # [P] bool
            # masked cumulative counts: equivalent to pair_dist[mask][:,None] < bins then sum(dim=0)
            less_counts = jnp.sum(less & mask[:, None], axis=0).astype(pair_dist.dtype)  # [n_bins+1]
            row.append(less_counts[1:] - less_counts[:-1])  # [n_bins]
        rows.append(jnp.stack(row, axis=0))
    rdf = jnp.stack(rows, axis=0)  # [S, S, n_bins]
    return (rdf / n_molecules)[None, ...]

if __name__ == "__main__":
    import jax
    _d = setup_inputs()
    print(jax.jit(kernel)(*tuple(_d.values())))

</pallas_src>

<mosaic_0001>
#map = affine_map<(d0, d1) -> (0)>
#map1 = affine_map<(d0, d1) -> (0, 0)>
module attributes {stable_mosaic.version = 14 : i64} {
  func.func @body(%arg0: i32, %arg1: i32, %arg2: memref<3200000xi32, #tpu.memory_space<hbm>>, %arg3: memref<3200000xi32, #tpu.memory_space<hbm>>, %arg4: memref<3200000xf32, #tpu.memory_space<hbm>>, %arg5: memref<100000xi32, #tpu.memory_space<hbm>>, %arg6: memref<32x8192xf32, #tpu.memory_space<hbm>>, %arg7: memref<100000xi32, #tpu.memory_space<vmem>>, %arg8: memref<8192xf32, #tpu.memory_space<vmem>>, %arg9: memref<2000xi32, #tpu.memory_space<vmem>>, %arg10: memref<2000xi32, #tpu.memory_space<vmem>>, %arg11: memref<2000xi32, #tpu.memory_space<vmem>>, %arg12: memref<2000xi32, #tpu.memory_space<vmem>>, %arg13: memref<2000xf32, #tpu.memory_space<vmem>>, %arg14: memref<2000xf32, #tpu.memory_space<vmem>>, %arg15: memref<!tpu.dma_semaphore, #tpu.memory_space<semaphore_mem>>, %arg16: memref<!tpu.dma_semaphore, #tpu.memory_space<semaphore_mem>>, %arg17: memref<!tpu.dma_semaphore, #tpu.memory_space<semaphore_mem>>, %arg18: memref<100000xi32, #tpu.memory_space<vmem_shared>>) attributes {dimension_semantics = [#tpu.dimension_semantics<core_parallel>, #tpu.dimension_semantics<subcore_parallel>], iteration_bounds = array<i64: 2, 16>, scalar_prefetch = 0 : i64, scratch_operands = 12 : i64, tpu.core_type = #tpu.core_type<sc_vector_subcore>, window_params = [{transform_indices = #map}, {transform_indices = #map}, {transform_indices = #map}, {transform_indices = #map}, {transform_indices = #map1}]} {
    %mul3A = arith.constant 2 : i32
    %mul3A_0 = arith.muli %arg1, %mul3A : i32
    %add3A = arith.addi %mul3A_0, %arg0 : i32
    %mul3A_1 = arith.constant 100000 : i32
    %mul3A_2 = arith.muli %add3A, %mul3A_1 : i32
    %add3A_3 = arith.constant 0 : i32
    %add3A_4 = arith.addi %mul3A_2, %add3A_3 : i32
    %dma_start3A = tpu.memref_slice %arg2[%add3A_4] : memref<3200000xi32, #tpu.memory_space<hbm>> -> memref<2000xi32, #tpu.memory_space<hbm>>
    %dma_start3A_5 = tpu.memref_slice %arg2[%add3A_4] : memref<3200000xi32, #tpu.memory_space<hbm>> -> memref<2000xi32, #tpu.memory_space<hbm>>
    tpu.enqueue_dma source(%dma_start3A_5 : memref<2000xi32, #tpu.memory_space<hbm>>) target(%arg9 : memref<2000xi32, #tpu.memory_space<vmem>>) target_semaphore(%arg15 : memref<!tpu.dma_semaphore, #tpu.memory_space<semaphore_mem>>)
    %dma_start3A_6 = tpu.memref_slice %arg3[%add3A_4] : memref<3200000xi32, #tpu.memory_space<hbm>> -> memref<2000xi32, #tpu.memory_space<hbm>>
    %dma_start3A_7 = tpu.memref_slice %arg3[%add3A_4] : memref<3200000xi32, #tpu.memory_space<hbm>> -> memref<2000xi32, #tpu.memory_space<hbm>>
    tpu.enqueue_dma source(%dma_start3A_7 : memref<2000xi32, #tpu.memory_space<hbm>>) target(%arg11 : memref<2000xi32, #tpu.memory_space<vmem>>) target_semaphore(%arg15 : memref<!tpu.dma_semaphore, #tpu.memory_space<semaphore_mem>>)
    %dma_start3A_8 = tpu.memref_slice %arg4[%add3A_4] : memref<3200000xf32, #tpu.memory_space<hbm>> -> memref<2000xf32, #tpu.memory_space<hbm>>
    %dma_start3A_9 = tpu.memref_slice %arg4[%add3A_4] : memref<3200000xf32, #tpu.memory_space<hbm>> -> memref<2000xf32, #tpu.memory_space<hbm>>
    tpu.enqueue_dma source(%dma_start3A_9 : memref<2000xf32, #tpu.memory_space<hbm>>) target(%arg13 : memref<2000xf32, #tpu.memory_space<vmem>>) target_semaphore(%arg15 : memref<!tpu.dma_semaphore, #tpu.memory_space<semaphore_mem>>)
    %mul3A_10 = arith.constant 6256 : i32
    %mul3A_11 = arith.muli %arg1, %mul3A_10 : i32
    %lt3A = arith.constant 15 : i32
    %lt3A_12 = arith.cmpi slt, %arg1, %lt3A : i32
    %convert_element_type3A = arith.extui %lt3A_12 : i1 to i32
    %cond3A = arith.constant 0 : i32
    %cond3A_13 = arith.cmpi ne, %convert_element_type3A, %cond3A : i32
    scf.if %cond3A_13 {
      %dma_start3A_33 = tpu.memref_slice %arg7[%mul3A_11] : memref<100000xi32, #tpu.memory_space<vmem>> -> memref<6256xi32, #tpu.memory_space<vmem>>
      %dma_start3A_34 = tpu.memref_slice %arg5[%mul3A_11] : memref<100000xi32, #tpu.memory_space<hbm>> -> memref<6256xi32, #tpu.memory_space<hbm>>
      %dma_start3A_35 = tpu.memref_slice %arg7[%mul3A_11] : memref<100000xi32, #tpu.memory_space<vmem>> -> memref<6256xi32, #tpu.memory_space<vmem>>
      %dma_start3A_36 = tpu.memref_slice %arg5[%mul3A_11] : memref<100000xi32, #tpu.memory_space<hbm>> -> memref<6256xi32, #tpu.memory_space<hbm>>
      tpu.enqueue_dma source(%dma_start3A_36 : memref<6256xi32, #tpu.memory_space<hbm>>) target(%dma_start3A_35 : memref<6256xi32, #tpu.memory_space<vmem>>) target_semaphore(%arg17 : memref<!tpu.dma_semaphore, #tpu.memory_space<semaphore_mem>>)
      %dma_wait3A = tpu.memref_slice %arg7[%mul3A_11] : memref<100000xi32, #tpu.memory_space<vmem>> -> memref<6256xi32, #tpu.memory_space<vmem>>
      %dma_wait3A_37 = tpu.memref_slice %arg5[%mul3A_11] : memref<100000xi32, #tpu.memory_space<hbm>> -> memref<6256xi32, #tpu.memory_space<hbm>>
      %dma_wait3A_38 = tpu.memref_slice %arg7[%mul3A_11] : memref<100000xi32, #tpu.memory_space<vmem>> -> memref<6256xi32, #tpu.memory_space<vmem>>
      %dma_wait3A_39 = tpu.memref_slice %arg5[%mul3A_11] : memref<100000xi32, #tpu.memory_space<hbm>> -> memref<6256xi32, #tpu.memory_space<hbm>>
      tpu.wait_dma2 semaphore(%arg17 : memref<!tpu.dma_semaphore, #tpu.memory_space<semaphore_mem>>) src(%dma_wait3A_39 : memref<6256xi32, #tpu.memory_space<hbm>>) dst(%dma_wait3A_38 : memref<6256xi32, #tpu.memory_space<vmem>>)
      "tpu.region"() ({
        %run_scoped3A = tpu.sem_alloc : memref<!tpu.dma_semaphore, #tpu.memory_space<semaphore_mem>>
        %dma_start3A_40 = tpu.memref_slice %arg7[%mul3A_11] : memref<100000xi32, #tpu.memory_space<vmem>> -> memref<6256xi32, #tpu.memory_space<vmem>>
        %dma_start3A_41 = tpu.memref_slice %arg18[%mul3A_11] : memref<100000xi32, #tpu.memory_space<vmem_shared>> -> memref<6256xi32, #tpu.memory_space<vmem_shared>>
        %dma_start3A_42 = tpu.memref_slice %arg18[%mul3A_11] : memref<100000xi32, #tpu.memory_space<vmem_shared>> -> memref<6256xi32, #tpu.memory_space<vmem_shared>>
        %dma_start3A_43 = tpu.memref_slice %arg7[%mul3A_11] : memref<100000xi32, #tpu.memory_space<vmem>> -> memref<6256xi32, #tpu.memory_space<vmem>>
        tpu.enqueue_dma source(%dma_start3A_43 : memref<6256xi32, #tpu.memory_space<vmem>>) target(%dma_start3A_42 : memref<6256xi32, #tpu.memory_space<vmem_shared>>) target_semaphore(%run_scoped3A : memref<!tpu.dma_semaphore, #tpu.memory_space<semaphore_mem>>)
        %dma_wait3A_44 = tpu.memref_slice %arg7[%mul3A_11] : memref<100000xi32, #tpu.memory_space<vmem>> -> memref<6256xi32, #tpu.memory_space<vmem>>
        %dma_wait3A_45 = tpu.memref_slice %arg18[%mul3A_11] : memref<100000xi32, #tpu.memory_space<vmem_shared>> -> memref<6256xi32, #tpu.memory_space<vmem_shared>>
        %dma_wait3A_46 = tpu.memref_slice %arg18[%mul3A_11] : memref<100000xi32, #tpu.memory_space<vmem_shared>> -> memref<6256xi32, #tpu.memory_space<vmem_shared>>
        %dma_wait3A_47 = tpu.memref_slice %arg7[%mul3A_11] : memref<100000xi32, #tpu.memory_space<vmem>> -> memref<6256xi32, #tpu.memory_space<vmem>>
        tpu.wait_dma2 semaphore(%run_scoped3A : memref<!tpu.dma_semaphore, #tpu.memory_space<semaphore_mem>>) src(%dma_wait3A_47 : memref<6256xi32, #tpu.memory_space<vmem>>) dst(%dma_wait3A_46 : memref<6256xi32, #tpu.memory_space<vmem_shared>>)
        tpu.yield
      }) : () -> ()
    } else {
    }
    %eq3A = arith.constant 15 : i32
    %eq3A_14 = arith.cmpi eq, %arg1, %eq3A : i32
    %convert_element_type3A_15 = arith.extui %eq3A_14 : i1 to i32
    %cond3A_16 = arith.constant 0 : i32
    %cond3A_17 = arith.cmpi ne, %convert_element_type3A_15, %cond3A_16 : i32
    scf.if %cond3A_17 {
      %dma_start3A_33 = arith.constant 93840 : i32
      %dma_start3A_34 = tpu.memref_slice %arg7[%dma_start3A_33] : memref<100000xi32, #tpu.memory_space<vmem>> -> memref<6160xi32, #tpu.memory_space<vmem>>
      %dma_start3A_35 = arith.constant 93840 : i32
      %dma_start3A_36 = tpu.memref_slice %arg5[%dma_start3A_35] : memref<100000xi32, #tpu.memory_space<hbm>> -> memref<6160xi32, #tpu.memory_space<hbm>>
      %dma_start3A_37 = arith.constant 93840 : i32
      %dma_start3A_38 = tpu.memref_slice %arg7[%dma_start3A_37] : memref<100000xi32, #tpu.memory_space<vmem>> -> memref<6160xi32, #tpu.memory_space<vmem>>
      %dma_start3A_39 = arith.constant 93840 : i32
      %dma_start3A_40 = tpu.memref_slice %arg5[%dma_start3A_39] : memref<100000xi32, #tpu.memory_space<hbm>> -> memref<6160xi32, #tpu.memory_space<hbm>>
      tpu.enqueue_dma source(%dma_start3A_40 : memref<6160xi32, #tpu.memory_space<hbm>>) target(%dma_start3A_38 : memref<6160xi32, #tpu.memory_space<vmem>>) target_semaphore(%arg17 : memref<!tpu.dma_semaphore, #tpu.memory_space<semaphore_mem>>)
      %dma_wait3A = arith.constant 93840 : i32
      %dma_wait3A_41 = tpu.memref_slice %arg7[%dma_wait3A] : memref<100000xi32, #tpu.memory_space<vmem>> -> memref<6160xi32, #tpu.memory_space<vmem>>
      %dma_wait3A_42 = arith.constant 93840 : i32
      %dma_wait3A_43 = tpu.memref_slice %arg5[%dma_wait3A_42] : memref<100000xi32, #tpu.memory_space<hbm>> -> memref<6160xi32, #tpu.memory_space<hbm>>
      %dma_wait3A_44 = arith.constant 93840 : i32
      %dma_wait3A_45 = tpu.memref_slice %arg7[%dma_wait3A_44] : memref<100000xi32, #tpu.memory_space<vmem>> -> memref<6160xi32, #tpu.memory_space<vmem>>
      %dma_wait3A_46 = arith.constant 93840 : i32
      %dma_wait3A_47 = tpu.memref_slice %arg5[%dma_wait3A_46] : memref<100000xi32, #tpu.memory_space<hbm>> -> memref<6160xi32, #tpu.memory_space<hbm>>
      tpu.wait_dma2 semaphore(%arg17 : memref<!tpu.dma_semaphore, #tpu.memory_space<semaphore_mem>>) src(%dma_wait3A_47 : memref<6160xi32, #tpu.memory_space<hbm>>) dst(%dma_wait3A_45 : memref<6160xi32, #tpu.memory_space<vmem>>)
      "tpu.region"() ({
        %run_scoped3A = tpu.sem_alloc : memref<!tpu.dma_semaphore, #tpu.memory_space<semaphore_mem>>
        %dma_start3A_48 = arith.constant 93840 : i32
        %dma_start3A_49 = tpu.memref_slice %arg7[%dma_start3A_48] : memref<100000xi32, #tpu.memory_space<vmem>> -> memref<6160xi32, #tpu.memory_space<vmem>>
        %dma_start3A_50 = arith.constant 93840 : i32
        %dma_start3A_51 = tpu.memref_slice %arg18[%dma_start3A_50] : memref<100000xi32, #tpu.memory_space<vmem_shared>> -> memref<6160xi32, #tpu.memory_space<vmem_shared>>
        %dma_start3A_52 = arith.constant 93840 : i32
        %dma_start3A_53 = tpu.memref_slice %arg18[%dma_start3A_52] : memref<100000xi32, #tpu.memory_space<vmem_shared>> -> memref<6160xi32, #tpu.memory_space<vmem_shared>>
        %dma_start3A_54 = arith.constant 93840 : i32
        %dma_start3A_55 = tpu.memref_slice %arg7[%dma_start3A_54] : memref<100000xi32, #tpu.memory_space<vmem>> -> memref<6160xi32, #tpu.memory_space<vmem>>
        tpu.enqueue_dma source(%dma_start3A_55 : memref<6160xi32, #tpu.memory_space<vmem>>) target(%dma_start3A_53 : memref<6160xi32, #tpu.memory_space<vmem_shared>>) target_semaphore(%run_scoped3A : memref<!tpu.dma_semaphore, #tpu.memory_space<semaphore_mem>>)
        %dma_wait3A_56 = arith.constant 93840 : i32
        %dma_wait3A_57 = tpu.memref_slice %arg7[%dma_wait3A_56] : memref<100000xi32, #tpu.memory_space<vmem>> -> memref<6160xi32, #tpu.memory_space<vmem>>
        %dma_wait3A_58 = arith.constant 93840 : i32
        %dma_wait3A_59 = tpu.memref_slice %arg18[%dma_wait3A_58] : memref<100000xi32, #tpu.memory_space<vmem_shared>> -> memref<6160xi32, #tpu.memory_space<vmem_shared>>
        %dma_wait3A_60 = arith.constant 93840 : i32
        %dma_wait3A_61 = tpu.memref_slice %arg18[%dma_wait3A_60] : memref<100000xi32, #tpu.memory_space<vmem_shared>> -> memref<6160xi32, #tpu.memory_space<vmem_shared>>
        %dma_wait3A_62 = arith.constant 93840 : i32
        %dma_wait3A_63 = tpu.memref_slice %arg7[%dma_wait3A_62] : memref<100000xi32, #tpu.memory_space<vmem>> -> memref<6160xi32, #tpu.memory_space<vmem>>
        tpu.wait_dma2 semaphore(%run_scoped3A : memref<!tpu.dma_semaphore, #tpu.memory_space<semaphore_mem>>) src(%dma_wait3A_63 : memref<6160xi32, #tpu.memory_space<vmem>>) dst(%dma_wait3A_61 : memref<6160xi32, #tpu.memory_space<vmem_shared>>)
        tpu.yield
      }) : () -> ()
    } else {
    }
    %broadcast_in_dim3A = arith.constant 0.000000e+00 : f32
    %broadcast_in_dim3A_18 = vector.broadcast %broadcast_in_dim3A : f32 to vector<16xf32>
    %scan3A = arith.constant 0 : i32
    %scan3A_19 = arith.constant 0 : i32
    %scan3A_20 = arith.constant 512 : i32
    %scan3A_21 = arith.addi %scan3A_19, %scan3A_20 : i32
    %scan3A_22 = arith.constant 8 : i32
    scf.for %scan3A_33 = %scan3A_19 to %scan3A_21 step %scan3A_22  : i32 {
      %mul3A_34 = arith.constant 16 : i32
      %mul3A_35 = arith.muli %scan3A_33, %mul3A_34 : i32
      %swap3A = arith.index_cast %mul3A_35 : i32 to index
      %swap3A_36 = tpu.vector_load %arg8[%swap3A] {strides = array<i32>} : memref<8192xf32, #tpu.memory_space<vmem>>, vector<16xf32>,
      tpu.vector_store %arg8[%swap3A], %broadcast_in_dim3A_18 {strides = array<i32>} : memref<8192xf32, #tpu.memory_space<vmem>>, vector<16xf32>,
      %scan3A_37 = arith.constant 1 : i32
      %scan3A_38 = arith.addi %scan3A_33, %scan3A_37 : i32
      %mul3A_39 = arith.constant 16 : i32
      %mul3A_40 = arith.muli %scan3A_38, %mul3A_39 : i32
      %swap3A_41 = arith.index_cast %mul3A_40 : i32 to index
      %swap3A_42 = tpu.vector_load %arg8[%swap3A_41] {strides = array<i32>} : memref<8192xf32, #tpu.memory_space<vmem>>, vector<16xf32>,
      tpu.vector_store %arg8[%swap3A_41], %broadcast_in_dim3A_18 {strides = array<i32>} : memref<8192xf32, #tpu.memory_space<vmem>>, vector<16xf32>,
      %scan3A_43 = arith.constant 2 : i32
      %scan3A_44 = arith.addi %scan3A_33, %scan3A_43 : i32
      %mul3A_45 = arith.constant 16 : i32
      %mul3A_46 = arith.muli %scan3A_44, %mul3A_45 : i32
      %swap3A_47 = arith.index_cast %mul3A_46 : i32 to index
      %swap3A_48 = tpu.vector_load %arg8[%swap3A_47] {strides = array<i32>} : memref<8192xf32, #tpu.memory_space<vmem>>, vector<16xf32>,
      tpu.vector_store %arg8[%swap3A_47], %broadcast_in_dim3A_18 {strides = array<i32>} : memref<8192xf32, #tpu.memory_space<vmem>>, vector<16xf32>,
      %scan3A_49 = arith.constant 3 : i32
      %scan3A_50 = arith.addi %scan3A_33, %scan3A_49 : i32
      %mul3A_51 = arith.constant 16 : i32
      %mul3A_52 = arith.muli %scan3A_50, %mul3A_51 : i32
      %swap3A_53 = arith.index_cast %mul3A_52 : i32 to index
      %swap3A_54 = tpu.vector_load %arg8[%swap3A_53] {strides = array<i32>} : memref<8192xf32, #tpu.memory_space<vmem>>, vector<16xf32>,
      tpu.vector_store %arg8[%swap3A_53], %broadcast_in_dim3A_18 {strides = array<i32>} : memref<8192xf32, #tpu.memory_space<vmem>>, vector<16xf32>,
      %scan3A_55 = arith.constant 4 : i32
      %scan3A_56 = arith.addi %scan3A_33, %scan3A_55 : i32
      %mul3A_57 = arith.constant 16 : i32
      %mul3A_58 = arith.muli %scan3A_56, %mul3A_57 : i32
      %swap3A_59 = arith.index_cast %mul3A_58 : i32 to index
      %swap3A_60 = tpu.vector_load %arg8[%swap3A_59] {strides = array<i32>} : memref<8192xf32, #tpu.memory_space<vmem>>, vector<16xf32>,
      tpu.vector_store %arg8[%swap3A_59], %broadcast_in_dim3A_18 {strides = array<i32>} : memref<8192xf32, #tpu.memory_space<vmem>>, vector<16xf32>,
      %scan3A_61 = arith.constant 5 : i32
      %scan3A_62 = arith.addi %scan3A_33, %scan3A_61 : i32
      %mul3A_63 = arith.constant 16 : i32
      %mul3A_64 = arith.muli %scan3A_62, %mul3A_63 : i32
      %swap3A_65 = arith.index_cast %mul3A_64 : i32 to index
      %swap3A_66 = tpu.vector_load %arg8[%swap3A_65] {strides = array<i32>} : memref<8192xf32, #tpu.memory_space<vmem>>, vector<16xf32>,
      tpu.vector_store %arg8[%swap3A_65], %broadcast_in_dim3A_18 {strides = array<i32>} : memref<8192xf32, #tpu.memory_space<vmem>>, vector<16xf32>,
      %scan3A_67 = arith.constant 6 : i32
      %scan3A_68 = arith.addi %scan3A_33, %scan3A_67 : i32
      %mul3A_69 = arith.constant 16 : i32
      %mul3A_70 = arith.muli %scan3A_68, %mul3A_69 : i32
      %swap3A_71 = arith.index_cast %mul3A_70 : i32 to index
      %swap3A_72 = tpu.vector_load %arg8[%swap3A_71] {strides = array<i32>} : memref<8192xf32, #tpu.memory_space<vmem>>, vector<16xf32>,
      tpu.vector_store %arg8[%swap3A_71], %broadcast_in_dim3A_18 {strides = array<i32>} : memref<8192xf32, #tpu.memory_space<vmem>>, vector<16xf32>,
      %scan3A_73 = arith.constant 7 : i32
      %scan3A_74 = arith.addi %scan3A_33, %scan3A_73 : i32
      %mul3A_75 = arith.constant 16 : i32
      %mul3A_76 = arith.muli %scan3A_74, %mul3A_75 : i32
      %swap3A_77 = arith.index_cast %mul3A_76 : i32 to index
      %swap3A_78 = tpu.vector_load %arg8[%swap3A_77] {strides = array<i32>} : memref<8192xf32, #tpu.memory_space<vmem>>, vector<16xf32>,
      tpu.vector_store %arg8[%swap3A_77], %broadcast_in_dim3A_18 {strides = array<i32>} : memref<8192xf32, #tpu.memory_space<vmem>>, vector<16xf32>,
    }
    %scan3A_23 = arith.constant 512 : i32
    %barrier3A = arith.constant 0 : index
    tpu.barrier barrier_id(%barrier3A)
    "tpu.region"() ({
      %run_scoped3A = tpu.sem_alloc : memref<!tpu.dma_semaphore, #tpu.memory_space<semaphore_mem>>
      tpu.enqueue_dma source(%arg18 : memref<100000xi32, #tpu.memory_space<vmem_shared>>) target(%arg7 : memref<100000xi32, #tpu.memory_space<vmem>>) target_semaphore(%run_scoped3A : memref<!tpu.dma_semaphore, #tpu.memory_space<semaphore_mem>>)
      tpu.wait_dma2 semaphore(%run_scoped3A : memref<!tpu.dma_semaphore, #tpu.memory_space<semaphore_mem>>) src(%arg18 : memref<100000xi32, #tpu.memory_space<vmem_shared>>) dst(%arg7 : memref<100000xi32, #tpu.memory_space<vmem>>)
      tpu.yield
    }) : () -> ()
    %broadcast_in_dim3A_24 = arith.constant 1.000000e+00 : f32
    %broadcast_in_dim3A_25 = vector.broadcast %broadcast_in_dim3A_24 : f32 to vector<16xf32>
    %scan3A_26 = arith.constant 0 : i32
    %scan3A_27 = arith.constant 16909320 : i32
    %scan3A_28 = arith.constant 0 : i32
    %scan3A_29 = arith.constant 25 : i32
    %scan3A_30 = arith.addi %scan3A_28, %scan3A_29 : i32
    %scan3A_31 = arith.constant 1 : i32
    scf.for %scan3A_33 = %scan3A_28 to %scan3A_30 step %scan3A_31  : i32 {
      %mul3A_34 = arith.constant 2 : i32
      %mul3A_35 = arith.muli %scan3A_33, %mul3A_34 : i32
      %add3A_36 = arith.constant 0 : i32
      %add3A_37 = arith.addi %mul3A_35, %add3A_36 : i32
      %dma_wait3A = arith.constant 0 : i32
      %dma_wait3A_38 = tpu.memref_slice %arg2[%dma_wait3A] : memref<3200000xi32, #tpu.memory_space<hbm>> -> memref<2000xi32, #tpu.memory_space<hbm>>
      %dma_wait3A_39 = arith.constant 0 : i32
      %dma_wait3A_40 = tpu.memref_slice %arg2[%dma_wait3A_39] : memref<3200000xi32, #tpu.memory_space<hbm>> -> memref<2000xi32, #tpu.memory_space<hbm>>
      tpu.wait_dma2 semaphore(%arg15 : memref<!tpu.dma_semaphore, #tpu.memory_space<semaphore_mem>>) src(%dma_wait3A_40 : memref<2000xi32, #tpu.memory_space<hbm>>) dst(%arg9 : memref<2000xi32, #tpu.memory_space<vmem>>)
      %dma_wait3A_41 = arith.constant 0 : i32
      %dma_wait3A_42 = tpu.memref_slice %arg3[%dma_wait3A_41] : memref<3200000xi32, #tpu.memory_space<hbm>> -> memref<2000xi32, #tpu.memory_space<hbm>>
      %dma_wait3A_43 = arith.constant 0 : i32
      %dma_wait3A_44 = tpu.memref_slice %arg3[%dma_wait3A_43] : memref<3200000xi32, #tpu.memory_space<hbm>> -> memref<2000xi32, #tpu.memory_space<hbm>>
      tpu.wait_dma2 semaphore(%arg15 : memref<!tpu.dma_semaphore, #tpu.memory_space<semaphore_mem>>) src(%dma_wait3A_44 : memref<2000xi32, #tpu.memory_space<hbm>>) dst(%arg11 : memref<2000xi32, #tpu.memory_space<vmem>>)
      %dma_wait3A_45 = arith.constant 0 : i32
      %dma_wait3A_46 = tpu.memref_slice %arg4[%dma_wait3A_45] : memref<3200000xf32, #tpu.memory_space<hbm>> -> memref<2000xf32, #tpu.memory_space<hbm>>
      %dma_wait3A_47 = arith.constant 0 : i32
      %dma_wait3A_48 = tpu.memref_slice %arg4[%dma_wait3A_47] : memref<3200000xf32, #tpu.memory_space<hbm>> -> memref<2000xf32, #tpu.memory_space<hbm>>
      tpu.wait_dma2 semaphore(%arg15 : memref<!tpu.dma_semaphore, #tpu.memory_space<semaphore_mem>>) src(%dma_wait3A_48 : memref<2000xf32, #tpu.memory_space<hbm>>) dst(%arg13 : memref<2000xf32, #tpu.memory_space<vmem>>)
      %add3A_49 = arith.constant 1 : i32
      %add3A_50 = arith.addi %add3A_37, %add3A_49 : i32
      %lt3A_51 = arith.constant 50 : i32
      %lt3A_52 = arith.cmpi slt, %add3A_50, %lt3A_51 : i32
      %convert_element_type3A_53 = arith.extui %lt3A_52 : i1 to i32
      %cond3A_54 = arith.constant 0 : i32
      %cond3A_55 = arith.cmpi ne, %convert_element_type3A_53, %cond3A_54 : i32
      scf.if %cond3A_55 {
        %mul3A_183 = arith.constant 2000 : i32
        %mul3A_184 = arith.muli %add3A_50, %mul3A_183 : i32
        %add3A_185 = arith.addi %mul3A_2, %mul3A_184 : i32
        %dma_start3A_186 = tpu.memref_slice %arg2[%add3A_185] : memref<3200000xi32, #tpu.memory_space<hbm>> -> memref<2000xi32, #tpu.memory_space<hbm>>
        %dma_start3A_187 = tpu.memref_slice %arg2[%add3A_185] : memref<3200000xi32, #tpu.memory_space<hbm>> -> memref<2000xi32, #tpu.memory_space<hbm>>
        tpu.enqueue_dma source(%dma_start3A_187 : memref<2000xi32, #tpu.memory_space<hbm>>) target(%arg10 : memref<2000xi32, #tpu.memory_space<vmem>>) target_semaphore(%arg16 : memref<!tpu.dma_semaphore, #tpu.memory_space<semaphore_mem>>)
        %dma_start3A_188 = tpu.memref_slice %arg3[%add3A_185] : memref<3200000xi32, #tpu.memory_space<hbm>> -> memref<2000xi32, #tpu.memory_space<hbm>>
        %dma_start3A_189 = tpu.memref_slice %arg3[%add3A_185] : memref<3200000xi32, #tpu.memory_space<hbm>> -> memref<2000xi32, #tpu.memory_space<hbm>>
        tpu.enqueue_dma source(%dma_start3A_189 : memref<2000xi32, #tpu.memory_space<hbm>>) target(%arg12 : memref<2000xi32, #tpu.memory_space<vmem>>) target_semaphore(%arg16 : memref<!tpu.dma_semaphore, #tpu.memory_space<semaphore_mem>>)
        %dma_start3A_190 = tpu.memref_slice %arg4[%add3A_185] : memref<3200000xf32, #tpu.memory_space<hbm>> -> memref<2000xf32, #tpu.memory_space<hbm>>
        %dma_start3A_191 = tpu.memref_slice %arg4[%add3A_185] : memref<3200000xf32, #tpu.memory_space<hbm>> -> memref<2000xf32, #tpu.memory_space<hbm>>
        tpu.enqueue_dma source(%dma_start3A_191 : memref<2000xf32, #tpu.memory_space<hbm>>) target(%arg14 : memref<2000xf32, #tpu.memory_space<vmem>>) target_semaphore(%arg16 : memref<!tpu.dma_semaphore, #tpu.memory_space<semaphore_mem>>)
      } else {
      }
      %broadcast_in_dim3A_56 = arith.constant -1 : i32
      %broadcast_in_dim3A_57 = vector.broadcast %broadcast_in_dim3A_56 : i32 to vector<16xi32>
      %broadcast_in_dim3A_58 = arith.constant 0 : i32
      %broadcast_in_dim3A_59 = vector.broadcast %broadcast_in_dim3A_58 : i32 to vector<16xi32>
      %broadcast_in_dim3A_60 = arith.constant 0 : i32
      %broadcast_in_dim3A_61 = vector.broadcast %broadcast_in_dim3A_60 : i32 to vector<16xi32>
      %broadcast_in_dim3A_62 = arith.constant 0 : i32
      %broadcast_in_dim3A_63 = vector.broadcast %broadcast_in_dim3A_62 : i32 to vector<16xi32>
      %broadcast_in_dim3A_64 = arith.constant 0 : i32
      %broadcast_in_dim3A_65 = vector.broadcast %broadcast_in_dim3A_64 : i32 to vector<16xi32>
      %broadcast_in_dim3A_66 = arith.constant 0 : i32
      %broadcast_in_dim3A_67 = vector.broadcast %broadcast_in_dim3A_66 : i32 to vector<16xi32>
      %scan3A_68 = arith.constant 0 : i32
      %scan3A_69 = arith.constant 25 : i32
      %scan3A_70 = arith.addi %scan3A_68, %scan3A_69 : i32
      %scan3A_71 = arith.constant 1 : i32
      %scan3A_72:10 = scf.for %scan3A_183 = %scan3A_68 to %scan3A_70 step %scan3A_71 iter_args(%scan3A_184 = %broadcast_in_dim3A_59, %scan3A_185 = %broadcast_in_dim3A_57, %scan3A_186 = %broadcast_in_dim3A_61, %scan3A_187 = %broadcast_in_dim3A_57, %scan3A_188 = %broadcast_in_dim3A_63, %scan3A_189 = %broadcast_in_dim3A_57, %scan3A_190 = %broadcast_in_dim3A_65, %scan3A_191 = %broadcast_in_dim3A_57, %scan3A_192 = %broadcast_in_dim3A_67, %scan3A_193 = %broadcast_in_dim3A_57) -> (vector<16xi32>, vector<16xi32>, vector<16xi32>, vector<16xi32>, vector<16xi32>, vector<16xi32>, vector<16xi32>, vector<16xi32>, vector<16xi32>, vector<16xi32>)  : i32 {
        %mul3A_194 = arith.constant 5 : i32
        %mul3A_195 = arith.muli %scan3A_183, %mul3A_194 : i32
        %add3A_196 = arith.constant 0 : i32
        %add3A_197 = arith.addi %mul3A_195, %add3A_196 : i32
        %mul3A_198 = arith.constant 16 : i32
        %mul3A_199 = arith.muli %add3A_197, %mul3A_198 : i32
        %get3A = arith.index_cast %mul3A_199 : i32 to index
        %get3A_200 = tpu.vector_load %arg9[%get3A] {strides = array<i32>} : memref<2000xi32, #tpu.memory_space<vmem>>, vector<16xi32>,
        %get3A_201 = arith.index_cast %mul3A_199 : i32 to index
        %get3A_202 = tpu.vector_load %arg11[%get3A_201] {strides = array<i32>} : memref<2000xi32, #tpu.memory_space<vmem>>, vector<16xi32>,
        %get3A_203 = arith.index_cast %mul3A_199 : i32 to index
        %get3A_204 = tpu.vector_load %arg13[%get3A_203] {strides = array<i32>} : memref<2000xf32, #tpu.memory_space<vmem>>, vector<16xf32>,
        %gather3A = tpu.vector_load_idx %arg7[%get3A_200] : memref<100000xi32, #tpu.memory_space<vmem>>[vector<16xi32>], vector<16xi32>,
        %gather3A_205 = tpu.vector_load_idx %arg7[%get3A_202] : memref<100000xi32, #tpu.memory_space<vmem>>[vector<16xi32>], vector<16xi32>,
        %mul3A_206 = vector.broadcast %scan3A_27 : i32 to vector<16xi32>
        %mul3A_207 = arith.muli %gather3A, %mul3A_206 : vector<16xi32>
        %shift_right_arithmetic3A = arith.constant 15 : i32
        %shift_right_arithmetic3A_208 = vector.broadcast %shift_right_arithmetic3A : i32 to vector<16xi32>
        %shift_right_arithmetic3A_209 = arith.shrsi %mul3A_207, %shift_right_arithmetic3A_208 : vector<16xi32>
        %and3A_210 = arith.constant 7680 : i32
        %and3A_211 = vector.broadcast %and3A_210 : i32 to vector<16xi32>
        %and3A_212 = arith.andi %shift_right_arithmetic3A_209, %and3A_211 : vector<16xi32>
        %mul3A_213 = vector.broadcast %scan3A_27 : i32 to vector<16xi32>
        %mul3A_214 = arith.muli %gather3A_205, %mul3A_213 : vector<16xi32>
        %shift_right_arithmetic3A_215 = arith.constant 19 : i32
        %shift_right_arithmetic3A_216 = vector.broadcast %shift_right_arithmetic3A_215 : i32 to vector<16xi32>
        %shift_right_arithmetic3A_217 = arith.shrsi %mul3A_214, %shift_right_arithmetic3A_216 : vector<16xi32>
        %and3A_218 = arith.constant 480 : i32
        %and3A_219 = vector.broadcast %and3A_218 : i32 to vector<16xi32>
        %and3A_220 = arith.andi %shift_right_arithmetic3A_217, %and3A_219 : vector<16xi32>
        %mul3A_221 = arith.constant 3.200000e+01 : f32
        %mul3A_222 = vector.broadcast %mul3A_221 : f32 to vector<16xf32>
        %mul3A_223 = arith.mulf %get3A_204, %mul3A_222 : vector<16xf32>
        %convert_element_type3A_224 = arith.fptosi %mul3A_223 : vector<16xf32> to vector<16xi32>
        %or3A = arith.ori %and3A_212, %and3A_220 : vector<16xi32>
        %or3A_225 = arith.ori %or3A, %convert_element_type3A_224 : vector<16xi32>
        %mul3A_226 = arith.constant 5 : i32
        %mul3A_227 = arith.muli %scan3A_183, %mul3A_226 : i32
        %add3A_228 = arith.constant 1 : i32
        %add3A_229 = arith.addi %mul3A_227, %add3A_228 : i32
        %mul3A_230 = arith.constant 16 : i32
        %mul3A_231 = arith.muli %add3A_229, %mul3A_230 : i32
        %get3A_232 = arith.index_cast %mul3A_231 : i32 to index
        %get3A_233 = tpu.vector_load %arg9[%get3A_232] {strides = array<i32>} : memref<2000xi32, #tpu.memory_space<vmem>>, vector<16xi32>,
        %get3A_234 = arith.index_cast %mul3A_231 : i32 to index
        %get3A_235 = tpu.vector_load %arg11[%get3A_234] {strides = array<i32>} : memref<2000xi32, #tpu.memory_space<vmem>>, vector<16xi32>,
        %get3A_236 = arith.index_cast %mul3A_231 : i32 to index
        %get3A_237 = tpu.vector_load %arg13[%get3A_236] {strides = array<i32>} : memref<2000xf32, #tpu.memory_space<vmem>>, vector<16xf32>,
        %gather3A_238 = tpu.vector_load_idx %arg7[%get3A_233] : memref<100000xi32, #tpu.memory_space<vmem>>[vector<16xi32>], vector<16xi32>,
        %gather3A_239 = tpu.vector_load_idx %arg7[%get3A_235] : memref<100000xi32, #tpu.memory_space<vmem>>[vector<16xi32>], vector<16xi32>,
        %mul3A_240 = vector.broadcast %scan3A_27 : i32 to vector<16xi32>
        %mul3A_241 = arith.muli %gather3A_238, %mul3A_240 : vector<16xi32>
        %shift_right_arithmetic3A_242 = arith.constant 15 : i32
        %shift_right_arithmetic3A_243 = vector.broadcast %shift_right_arithmetic3A_242 : i32 to vector<16xi32>
        %shift_right_arithmetic3A_244 = arith.shrsi %mul3A_241, %shift_right_arithmetic3A_243 : vector<16xi32>
        %and3A_245 = arith.constant 7680 : i32
        %and3A_246 = vector.broadcast %and3A_245 : i32 to vector<16xi32>
        %and3A_247 = arith.andi %shift_right_arithmetic3A_244, %and3A_246 : vector<16xi32>
        %mul3A_248 = vector.broadcast %scan3A_27 : i32 to vector<16xi32>
        %mul3A_249 = arith.muli %gather3A_239, %mul3A_248 : vector<16xi32>
        %shift_right_arithmetic3A_250 = arith.constant 19 : i32
        %shift_right_arithmetic3A_251 = vector.broadcast %shift_right_arithmetic3A_250 : i32 to vector<16xi32>
        %shift_right_arithmetic3A_252 = arith.shrsi %mul3A_249, %shift_right_arithmetic3A_251 : vector<16xi32>
        %and3A_253 = arith.constant 480 : i32
        %and3A_254 = vector.broadcast %and3A_253 : i32 to vector<16xi32>
        %and3A_255 = arith.andi %shift_right_arithmetic3A_252, %and3A_254 : vector<16xi32>
        %mul3A_256 = arith.constant 3.200000e+01 : f32
        %mul3A_257 = vector.broadcast %mul3A_256 : f32 to vector<16xf32>
        %mul3A_258 = arith.mulf %get3A_237, %mul3A_257 : vector<16xf32>
        %convert_element_type3A_259 = arith.fptosi %mul3A_258 : vector<16xf32> to vector<16xi32>
        %or3A_260 = arith.ori %and3A_247, %and3A_255 : vector<16xi32>
        %or3A_261 = arith.ori %or3A_260, %convert_element_type3A_259 : vector<16xi32>
        %mul3A_262 = arith.constant 5 : i32
        %mul3A_263 = arith.muli %scan3A_183, %mul3A_262 : i32
        %add3A_264 = arith.constant 2 : i32
        %add3A_265 = arith.addi %mul3A_263, %add3A_264 : i32
        %mul3A_266 = arith.constant 16 : i32
        %mul3A_267 = arith.muli %add3A_265, %mul3A_266 : i32
        %get3A_268 = arith.index_cast %mul3A_267 : i32 to index
        %get3A_269 = tpu.vector_load %arg9[%get3A_268] {strides = array<i32>} : memref<2000xi32, #tpu.memory_space<vmem>>, vector<16xi32>,
        %get3A_270 = arith.index_cast %mul3A_267 : i32 to index
        %get3A_271 = tpu.vector_load %arg11[%get3A_270] {strides = array<i32>} : memref<2000xi32, #tpu.memory_space<vmem>>, vector<16xi32>,
        %get3A_272 = arith.index_cast %mul3A_267 : i32 to index
        %get3A_273 = tpu.vector_load %arg13[%get3A_272] {strides = array<i32>} : memref<2000xf32, #tpu.memory_space<vmem>>, vector<16xf32>,
        %gather3A_274 = tpu.vector_load_idx %arg7[%get3A_269] : memref<100000xi32, #tpu.memory_space<vmem>>[vector<16xi32>], vector<16xi32>,
        %gather3A_275 = tpu.vector_load_idx %arg7[%get3A_271] : memref<100000xi32, #tpu.memory_space<vmem>>[vector<16xi32>], vector<16xi32>,
        %mul3A_276 = vector.broadcast %scan3A_27 : i32 to vector<16xi32>
        %mul3A_277 = arith.muli %gather3A_274, %mul3A_276 : vector<16xi32>
        %shift_right_arithmetic3A_278 = arith.constant 15 : i32
        %shift_right_arithmetic3A_279 = vector.broadcast %shift_right_arithmetic3A_278 : i32 to vector<16xi32>
        %shift_right_arithmetic3A_280 = arith.shrsi %mul3A_277, %shift_right_arithmetic3A_279 : vector<16xi32>
        %and3A_281 = arith.constant 7680 : i32
        %and3A_282 = vector.broadcast %and3A_281 : i32 to vector<16xi32>
        %and3A_283 = arith.andi %shift_right_arithmetic3A_280, %and3A_282 : vector<16xi32>
        %mul3A_284 = vector.broadcast %scan3A_27 : i32 to vector<16xi32>
        %mul3A_285 = arith.muli %gather3A_275, %mul3A_284 : vector<16xi32>
        %shift_right_arithmetic3A_286 = arith.constant 19 : i32
        %shift_right_arithmetic3A_287 = vector.broadcast %shift_right_arithmetic3A_286 : i32 to vector<16xi32>
        %shift_right_arithmetic3A_288 = arith.shrsi %mul3A_285, %shift_right_arithmetic3A_287 : vector<16xi32>
        %and3A_289 = arith.constant 480 : i32
        %and3A_290 = vector.broadcast %and3A_289 : i32 to vector<16xi32>
        %and3A_291 = arith.andi %shift_right_arithmetic3A_288, %and3A_290 : vector<16xi32>
        %mul3A_292 = arith.constant 3.200000e+01 : f32
        %mul3A_293 = vector.broadcast %mul3A_292 : f32 to vector<16xf32>
        %mul3A_294 = arith.mulf %get3A_273, %mul3A_293 : vector<16xf32>
        %convert_element_type3A_295 = arith.fptosi %mul3A_294 : vector<16xf32> to vector<16xi32>
        %or3A_296 = arith.ori %and3A_283, %and3A_291 : vector<16xi32>
        %or3A_297 = arith.ori %or3A_296, %convert_element_type3A_295 : vector<16xi32>
        %mul3A_298 = arith.constant 5 : i32
        %mul3A_299 = arith.muli %scan3A_183, %mul3A_298 : i32
        %add3A_300 = arith.constant 3 : i32
        %add3A_301 = arith.addi %mul3A_299, %add3A_300 : i32
        %mul3A_302 = arith.constant 16 : i32
        %mul3A_303 = arith.muli %add3A_301, %mul3A_302 : i32
        %get3A_304 = arith.index_cast %mul3A_303 : i32 to index
        %get3A_305 = tpu.vector_load %arg9[%get3A_304] {strides = array<i32>} : memref<2000xi32, #tpu.memory_space<vmem>>, vector<16xi32>,
        %get3A_306 = arith.index_cast %mul3A_303 : i32 to index
        %get3A_307 = tpu.vector_load %arg11[%get3A_306] {strides = array<i32>} : memref<2000xi32, #tpu.memory_space<vmem>>, vector<16xi32>,
        %get3A_308 = arith.index_cast %mul3A_303 : i32 to index
        %get3A_309 = tpu.vector_load %arg13[%get3A_308] {strides = array<i32>} : memref<2000xf32, #tpu.memory_space<vmem>>, vector<16xf32>,
        %gather3A_310 = tpu.vector_load_idx %arg7[%get3A_305] : memref<100000xi32, #tpu.memory_space<vmem>>[vector<16xi32>], vector<16xi32>,
        %gather3A_311 = tpu.vector_load_idx %arg7[%get3A_307] : memref<100000xi32, #tpu.memory_space<vmem>>[vector<16xi32>], vector<16xi32>,
        %mul3A_312 = vector.broadcast %scan3A_27 : i32 to vector<16xi32>
        %mul3A_313 = arith.muli %gather3A_310, %mul3A_312 : vector<16xi32>
        %shift_right_arithmetic3A_314 = arith.constant 15 : i32
        %shift_right_arithmetic3A_315 = vector.broadcast %shift_right_arithmetic3A_314 : i32 to vector<16xi32>
        %shift_right_arithmetic3A_316 = arith.shrsi %mul3A_313, %shift_right_arithmetic3A_315 : vector<16xi32>
        %and3A_317 = arith.constant 7680 : i32
        %and3A_318 = vector.broadcast %and3A_317 : i32 to vector<16xi32>
        %and3A_319 = arith.andi %shift_right_arithmetic3A_316, %and3A_318 : vector<16xi32>
        %mul3A_320 = vector.broadcast %scan3A_27 : i32 to vector<16xi32>
        %mul3A_321 = arith.muli %gather3A_311, %mul3A_320 : vector<16xi32>
        %shift_right_arithmetic3A_322 = arith.constant 19 : i32
        %shift_right_arithmetic3A_323 = vector.broadcast %shift_right_arithmetic3A_322 : i32 to vector<16xi32>
        %shift_right_arithmetic3A_324 = arith.shrsi %mul3A_321, %shift_right_arithmetic3A_323 : vector<16xi32>
        %and3A_325 = arith.constant 480 : i32
        %and3A_326 = vector.broadcast %and3A_325 : i32 to vector<16xi32>
        %and3A_327 = arith.andi %shift_right_arithmetic3A_324, %and3A_326 : vector<16xi32>
        %mul3A_328 = arith.constant 3.200000e+01 : f32
        %mul3A_329 = vector.broadcast %mul3A_328 : f32 to vector<16xf32>
        %mul3A_330 = arith.mulf %get3A_309, %mul3A_329 : vector<16xf32>
        %convert_element_type3A_331 = arith.fptosi %mul3A_330 : vector<16xf32> to vector<16xi32>
        %or3A_332 = arith.ori %and3A_319, %and3A_327 : vector<16xi32>
        %or3A_333 = arith.ori %or3A_332, %convert_element_type3A_331 : vector<16xi32>
        %mul3A_334 = arith.constant 5 : i32
        %mul3A_335 = arith.muli %scan3A_183, %mul3A_334 : i32
        %add3A_336 = arith.constant 4 : i32
        %add3A_337 = arith.addi %mul3A_335, %add3A_336 : i32
        %mul3A_338 = arith.constant 16 : i32
        %mul3A_339 = arith.muli %add3A_337, %mul3A_338 : i32
        %get3A_340 = arith.index_cast %mul3A_339 : i32 to index
        %get3A_341 = tpu.vector_load %arg9[%get3A_340] {strides = array<i32>} : memref<2000xi32, #tpu.memory_space<vmem>>, vector<16xi32>,
        %get3A_342 = arith.index_cast %mul3A_339 : i32 to index
        %get3A_343 = tpu.vector_load %arg11[%get3A_342] {strides = array<i32>} : memref<2000xi32, #tpu.memory_space<vmem>>, vector<16xi32>,
        %get3A_344 = arith.index_cast %mul3A_339 : i32 to index
        %get3A_345 = tpu.vector_load %arg13[%get3A_344] {strides = array<i32>} : memref<2000xf32, #tpu.memory_space<vmem>>, vector<16xf32>,
        %gather3A_346 = tpu.vector_load_idx %arg7[%get3A_341] : memref<100000xi32, #tpu.memory_space<vmem>>[vector<16xi32>], vector<16xi32>,
        %gather3A_347 = tpu.vector_load_idx %arg7[%get3A_343] : memref<100000xi32, #tpu.memory_space<vmem>>[vector<16xi32>], vector<16xi32>,
        %mul3A_348 = vector.broadcast %scan3A_27 : i32 to vector<16xi32>
        %mul3A_349 = arith.muli %gather3A_346, %mul3A_348 : vector<16xi32>
        %shift_right_arithmetic3A_350 = arith.constant 15 : i32
        %shift_right_arithmetic3A_351 = vector.broadcast %shift_right_arithmetic3A_350 : i32 to vector<16xi32>
        %shift_right_arithmetic3A_352 = arith.shrsi %mul3A_349, %shift_right_arithmetic3A_351 : vector<16xi32>
        %and3A_353 = arith.constant 7680 : i32
        %and3A_354 = vector.broadcast %and3A_353 : i32 to vector<16xi32>
        %and3A_355 = arith.andi %shift_right_arithmetic3A_352, %and3A_354 : vector<16xi32>
        %mul3A_356 = vector.broadcast %scan3A_27 : i32 to vector<16xi32>
        %mul3A_357 = arith.muli %gather3A_347, %mul3A_356 : vector<16xi32>
        %shift_right_arithmetic3A_358 = arith.constant 19 : i32
        %shift_right_arithmetic3A_359 = vector.broadcast %shift_right_arithmetic3A_358 : i32 to vector<16xi32>
        %shift_right_arithmetic3A_360 = arith.shrsi %mul3A_357, %shift_right_arithmetic3A_359 : vector<16xi32>
        %and3A_361 = arith.constant 480 : i32
        %and3A_362 = vector.broadcast %and3A_361 : i32 to vector<16xi32>
        %and3A_363 = arith.andi %shift_right_arithmetic3A_360, %and3A_362 : vector<16xi32>
        %mul3A_364 = arith.constant 3.200000e+01 : f32
        %mul3A_365 = vector.broadcast %mul3A_364 : f32 to vector<16xf32>
        %mul3A_366 = arith.mulf %get3A_345, %mul3A_365 : vector<16xf32>
        %convert_element_type3A_367 = arith.fptosi %mul3A_366 : vector<16xf32> to vector<16xi32>
        %or3A_368 = arith.ori %and3A_355, %and3A_363 : vector<16xi32>
        %or3A_369 = arith.ori %or3A_368, %convert_element_type3A_367 : vector<16xi32>
        %ge3A_370 = arith.constant 0 : i32
        %ge3A_371 = vector.broadcast %ge3A_370 : i32 to vector<16xi32>
        %ge3A_372 = arith.cmpi sge, %scan3A_185, %ge3A_371 : vector<16xi32>
        %lt3A_373 = arith.constant 32 : i32
        %lt3A_374 = vector.broadcast %lt3A_373 : i32 to vector<16xi32>
        %lt3A_375 = arith.cmpi slt, %scan3A_185, %lt3A_374 : vector<16xi32>
        %and3A_376 = arith.andi %ge3A_372, %lt3A_375 : vector<16xi1>
        tpu.vector_store_idx %arg8[%scan3A_184], %broadcast_in_dim3A_25 masked %and3A_376 {add = true} : memref<8192xf32, #tpu.memory_space<vmem>>[vector<16xi32>], vector<16xf32>, vector<16xi1>
        %ge3A_377 = arith.constant 0 : i32
        %ge3A_378 = vector.broadcast %ge3A_377 : i32 to vector<16xi32>
        %ge3A_379 = arith.cmpi sge, %scan3A_187, %ge3A_378 : vector<16xi32>
        %lt3A_380 = arith.constant 32 : i32
        %lt3A_381 = vector.broadcast %lt3A_380 : i32 to vector<16xi32>
        %lt3A_382 = arith.cmpi slt, %scan3A_187, %lt3A_381 : vector<16xi32>
        %and3A_383 = arith.andi %ge3A_379, %lt3A_382 : vector<16xi1>
        tpu.vector_store_idx %arg8[%scan3A_186], %broadcast_in_dim3A_25 masked %and3A_383 {add = true} : memref<8192xf32, #tpu.memory_space<vmem>>[vector<16xi32>], vector<16xf32>, vector<16xi1>
        %ge3A_384 = arith.constant 0 : i32
        %ge3A_385 = vector.broadcast %ge3A_384 : i32 to vector<16xi32>
        %ge3A_386 = arith.cmpi sge, %scan3A_189, %ge3A_385 : vector<16xi32>
        %lt3A_387 = arith.constant 32 : i32
        %lt3A_388 = vector.broadcast %lt3A_387 : i32 to vector<16xi32>
        %lt3A_389 = arith.cmpi slt, %scan3A_189, %lt3A_388 : vector<16xi32>
        %and3A_390 = arith.andi %ge3A_386, %lt3A_389 : vector<16xi1>
        tpu.vector_store_idx %arg8[%scan3A_188], %broadcast_in_dim3A_25 masked %and3A_390 {add = true} : memref<8192xf32, #tpu.memory_space<vmem>>[vector<16xi32>], vector<16xf32>, vector<16xi1>
        %ge3A_391 = arith.constant 0 : i32
        %ge3A_392 = vector.broadcast %ge3A_391 : i32 to vector<16xi32>
        %ge3A_393 = arith.cmpi sge, %scan3A_191, %ge3A_392 : vector<16xi32>
        %lt3A_394 = arith.constant 32 : i32
        %lt3A_395 = vector.broadcast %lt3A_394 : i32 to vector<16xi32>
        %lt3A_396 = arith.cmpi slt, %scan3A_191, %lt3A_395 : vector<16xi32>
        %and3A_397 = arith.andi %ge3A_393, %lt3A_396 : vector<16xi1>
        tpu.vector_store_idx %arg8[%scan3A_190], %broadcast_in_dim3A_25 masked %and3A_397 {add = true} : memref<8192xf32, #tpu.memory_space<vmem>>[vector<16xi32>], vector<16xf32>, vector<16xi1>
        %ge3A_398 = arith.constant 0 : i32
        %ge3A_399 = vector.broadcast %ge3A_398 : i32 to vector<16xi32>
        %ge3A_400 = arith.cmpi sge, %scan3A_193, %ge3A_399 : vector<16xi32>
        %lt3A_401 = arith.constant 32 : i32
        %lt3A_402 = vector.broadcast %lt3A_401 : i32 to vector<16xi32>
        %lt3A_403 = arith.cmpi slt, %scan3A_193, %lt3A_402 : vector<16xi32>
        %and3A_404 = arith.andi %ge3A_400, %lt3A_403 : vector<16xi1>
        tpu.vector_store_idx %arg8[%scan3A_192], %broadcast_in_dim3A_25 masked %and3A_404 {add = true} : memref<8192xf32, #tpu.memory_space<vmem>>[vector<16xi32>], vector<16xf32>, vector<16xi1>
        scf.yield %or3A_225, %convert_element_type3A_224, %or3A_261, %convert_element_type3A_259, %or3A_297, %convert_element_type3A_295, %or3A_333, %convert_element_type3A_331, %or3A_369, %convert_element_type3A_367 : vector<16xi32>, vector<16xi32>, vector<16xi32>, vector<16xi32>, vector<16xi32>, vector<16xi32>, vector<16xi32>, vector<16xi32>, vector<16xi32>, vector<16xi32>
      }
      %scan3A_73 = arith.constant 25 : i32
      %ge3A = arith.constant 0 : i32
      %ge3A_74 = vector.broadcast %ge3A : i32 to vector<16xi32>
      %ge3A_75 = arith.cmpi sge, %scan3A_72#1, %ge3A_74 : vector<16xi32>
      %lt3A_76 = arith.constant 32 : i32
      %lt3A_77 = vector.broadcast %lt3A_76 : i32 to vector<16xi32>
      %lt3A_78 = arith.cmpi slt, %scan3A_72#1, %lt3A_77 : vector<16xi32>
      %and3A = arith.andi %ge3A_75, %lt3A_78 : vector<16xi1>
      tpu.vector_store_idx %arg8[%scan3A_72#0], %broadcast_in_dim3A_25 masked %and3A {add = true} : memref<8192xf32, #tpu.memory_space<vmem>>[vector<16xi32>], vector<16xf32>, vector<16xi1>
      %ge3A_79 = arith.constant 0 : i32
      %ge3A_80 = vector.broadcast %ge3A_79 : i32 to vector<16xi32>
      %ge3A_81 = arith.cmpi sge, %scan3A_72#3, %ge3A_80 : vector<16xi32>
      %lt3A_82 = arith.constant 32 : i32
      %lt3A_83 = vector.broadcast %lt3A_82 : i32 to vector<16xi32>
      %lt3A_84 = arith.cmpi slt, %scan3A_72#3, %lt3A_83 : vector<16xi32>
      %and3A_85 = arith.andi %ge3A_81, %lt3A_84 : vector<16xi1>
      tpu.vector_store_idx %arg8[%scan3A_72#2], %broadcast_in_dim3A_25 masked %and3A_85 {add = true} : memref<8192xf32, #tpu.memory_space<vmem>>[vector<16xi32>], vector<16xf32>, vector<16xi1>
      %ge3A_86 = arith.constant 0 : i32
      %ge3A_87 = vector.broadcast %ge3A_86 : i32 to vector<16xi32>
      %ge3A_88 = arith.cmpi sge, %scan3A_72#5, %ge3A_87 : vector<16xi32>
      %lt3A_89 = arith.constant 32 : i32
      %lt3A_90 = vector.broadcast %lt3A_89 : i32 to vector<16xi32>
      %lt3A_91 = arith.cmpi slt, %scan3A_72#5, %lt3A_90 : vector<16xi32>
      %and3A_92 = arith.andi %ge3A_88, %lt3A_91 : vector<16xi1>
      tpu.vector_store_idx %arg8[%scan3A_72#4], %broadcast_in_dim3A_25 masked %and3A_92 {add = true} : memref<8192xf32, #tpu.memory_space<vmem>>[vector<16xi32>], vector<16xf32>, vector<16xi1>
      %ge3A_93 = arith.constant 0 : i32
      %ge3A_94 = vector.broadcast %ge3A_93 : i32 to vector<16xi32>
      %ge3A_95 = arith.cmpi sge, %scan3A_72#7, %ge3A_94 : vector<16xi32>
      %lt3A_96 = arith.constant 32 : i32
      %lt3A_97 = vector.broadcast %lt3A_96 : i32 to vector<16xi32>
      %lt3A_98 = arith.cmpi slt, %scan3A_72#7, %lt3A_97 : vector<16xi32>
      %and3A_99 = arith.andi %ge3A_95, %lt3A_98 : vector<16xi1>
      tpu.vector_store_idx %arg8[%scan3A_72#6], %broadcast_in_dim3A_25 masked %and3A_99 {add = true} : memref<8192xf32, #tpu.memory_space<vmem>>[vector<16xi32>], vector<16xf32>, vector<16xi1>
      %ge3A_100 = arith.constant 0 : i32
      %ge3A_101 = vector.broadcast %ge3A_100 : i32 to vector<16xi32>
      %ge3A_102 = arith.cmpi sge, %scan3A_72#9, %ge3A_101 : vector<16xi32>
      %lt3A_103 = arith.constant 32 : i32
      %lt3A_104 = vector.broadcast %lt3A_103 : i32 to vector<16xi32>
      %lt3A_105 = arith.cmpi slt, %scan3A_72#9, %lt3A_104 : vector<16xi32>
      %and3A_106 = arith.andi %ge3A_102, %lt3A_105 : vector<16xi1>
      tpu.vector_store_idx %arg8[%scan3A_72#8], %broadcast_in_dim3A_25 masked %and3A_106 {add = true} : memref<8192xf32, #tpu.memory_space<vmem>>[vector<16xi32>], vector<16xf32>, vector<16xi1>
      %mul3A_107 = arith.constant 2 : i32
      %mul3A_108 = arith.muli %scan3A_33, %mul3A_107 : i32
      %add3A_109 = arith.constant 1 : i32
      %add3A_110 = arith.addi %mul3A_108, %add3A_109 : i32
      %dma_wait3A_111 = arith.constant 0 : i32
      %dma_wait3A_112 = tpu.memref_slice %arg2[%dma_wait3A_111] : memref<3200000xi32, #tpu.memory_space<hbm>> -> memref<2000xi32, #tpu.memory_space<hbm>>
      %dma_wait3A_113 = arith.constant 0 : i32
      %dma_wait3A_114 = tpu.memref_slice %arg2[%dma_wait3A_113] : memref<3200000xi32, #tpu.memory_space<hbm>> -> memref<2000xi32, #tpu.memory_space<hbm>>
      tpu.wait_dma2 semaphore(%arg16 : memref<!tpu.dma_semaphore, #tpu.memory_space<semaphore_mem>>) src(%dma_wait3A_114 : memref<2000xi32, #tpu.memory_space<hbm>>) dst(%arg10 : memref<2000xi32, #tpu.memory_space<vmem>>)
      %dma_wait3A_115 = arith.constant 0 : i32
      %dma_wait3A_116 = tpu.memref_slice %arg3[%dma_wait3A_115] : memref<3200000xi32, #tpu.memory_space<hbm>> -> memref<2000xi32, #tpu.memory_space<hbm>>
      %dma_wait3A_117 = arith.constant 0 : i32
      %dma_wait3A_118 = tpu.memref_slice %arg3[%dma_wait3A_117] : memref<3200000xi32, #tpu.memory_space<hbm>> -> memref<2000xi32, #tpu.memory_space<hbm>>
      tpu.wait_dma2 semaphore(%arg16 : memref<!tpu.dma_semaphore, #tpu.memory_space<semaphore_mem>>) src(%dma_wait3A_118 : memref<2000xi32, #tpu.memory_space<hbm>>) dst(%arg12 : memref<2000xi32, #tpu.memory_space<vmem>>)
      %dma_wait3A_119 = arith.constant 0 : i32
      %dma_wait3A_120 = tpu.memref_slice %arg4[%dma_wait3A_119] : memref<3200000xf32, #tpu.memory_space<hbm>> -> memref<2000xf32, #tpu.memory_space<hbm>>
      %dma_wait3A_121 = arith.constant 0 : i32
      %dma_wait3A_122 = tpu.memref_slice %arg4[%dma_wait3A_121] : memref<3200000xf32, #tpu.memory_space<hbm>> -> memref<2000xf32, #tpu.memory_space<hbm>>
      tpu.wait_dma2 semaphore(%arg16 : memref<!tpu.dma_semaphore, #tpu.memory_space<semaphore_mem>>) src(%dma_wait3A_122 : memref<2000xf32, #tpu.memory_space<hbm>>) dst(%arg14 : memref<2000xf32, #tpu.memory_space<vmem>>)
      %add3A_123 = arith.constant 1 : i32
      %add3A_124 = arith.addi %add3A_110, %add3A_123 : i32
      %lt3A_125 = arith.constant 50 : i32
      %lt3A_126 = arith.cmpi slt, %add3A_124, %lt3A_125 : i32
      %convert_element_type3A_127 = arith.extui %lt3A_126 : i1 to i32
      %cond3A_128 = arith.constant 0 : i32
      %cond3A_129 = arith.cmpi ne, %convert_element_type3A_127, %cond3A_128 : i32
      scf.if %cond3A_129 {
        %mul3A_183 = arith.constant 2000 : i32
        %mul3A_184 = arith.muli %add3A_124, %mul3A_183 : i32
        %add3A_185 = arith.addi %mul3A_2, %mul3A_184 : i32
        %dma_start3A_186 = tpu.memref_slice %arg2[%add3A_185] : memref<3200000xi32, #tpu.memory_space<hbm>> -> memref<2000xi32, #tpu.memory_space<hbm>>
        %dma_start3A_187 = tpu.memref_slice %arg2[%add3A_185] : memref<3200000xi32, #tpu.memory_space<hbm>> -> memref<2000xi32, #tpu.memory_space<hbm>>
        tpu.enqueue_dma source(%dma_start3A_187 : memref<2000xi32, #tpu.memory_space<hbm>>) target(%arg9 : memref<2000xi32, #tpu.memory_space<vmem>>) target_semaphore(%arg15 : memref<!tpu.dma_semaphore, #tpu.memory_space<semaphore_mem>>)
        %dma_start3A_188 = tpu.memref_slice %arg3[%add3A_185] : memref<3200000xi32, #tpu.memory_space<hbm>> -> memref<2000xi32, #tpu.memory_space<hbm>>
        %dma_start3A_189 = tpu.memref_slice %arg3[%add3A_185] : memref<3200000xi32, #tpu.memory_space<hbm>> -> memref<2000xi32, #tpu.memory_space<hbm>>
        tpu.enqueue_dma source(%dma_start3A_189 : memref<2000xi32, #tpu.memory_space<hbm>>) target(%arg11 : memref<2000xi32, #tpu.memory_space<vmem>>) target_semaphore(%arg15 : memref<!tpu.dma_semaphore, #tpu.memory_space<semaphore_mem>>)
        %dma_start3A_190 = tpu.memref_slice %arg4[%add3A_185] : memref<3200000xf32, #tpu.memory_space<hbm>> -> memref<2000xf32, #tpu.memory_space<hbm>>
        %dma_start3A_191 = tpu.memref_slice %arg4[%add3A_185] : memref<3200000xf32, #tpu.memory_space<hbm>> -> memref<2000xf32, #tpu.memory_space<hbm>>
        tpu.enqueue_dma source(%dma_start3A_191 : memref<2000xf32, #tpu.memory_space<hbm>>) target(%arg13 : memref<2000xf32, #tpu.memory_space<vmem>>) target_semaphore(%arg15 : memref<!tpu.dma_semaphore, #tpu.memory_space<semaphore_mem>>)
      } else {
      }
      %broadcast_in_dim3A_130 = arith.constant -1 : i32
      %broadcast_in_dim3A_131 = vector.broadcast %broadcast_in_dim3A_130 : i32 to vector<16xi32>
      %broadcast_in_dim3A_132 = arith.constant 0 : i32
      %broadcast_in_dim3A_133 = vector.broadcast %broadcast_in_dim3A_132 : i32 to vector<16xi32>
      %broadcast_in_dim3A_134 = arith.constant 0 : i32
      %broadcast_in_dim3A_135 = vector.broadcast %broadcast_in_dim3A_134 : i32 to vector<16xi32>
      %broadcast_in_dim3A_136 = arith.constant 0 : i32
      %broadcast_in_dim3A_137 = vector.broadcast %broadcast_in_dim3A_136 : i32 to vector<16xi32>
      %broadcast_in_dim3A_138 = arith.constant 0 : i32
      %broadcast_in_dim3A_139 = vector.broadcast %broadcast_in_dim3A_138 : i32 to vector<16xi32>
      %broadcast_in_dim3A_140 = arith.constant 0 : i32
      %broadcast_in_dim3A_141 = vector.broadcast %broadcast_in_dim3A_140 : i32 to vector<16xi32>
      %scan3A_142 = arith.constant 0 : i32
      %scan3A_143 = arith.constant 25 : i32
      %scan3A_144 = arith.addi %scan3A_142, %scan3A_143 : i32
      %scan3A_145 = arith.constant 1 : i32
      %scan3A_146:10 = scf.for %scan3A_183 = %scan3A_142 to %scan3A_144 step %scan3A_145 iter_args(%scan3A_184 = %broadcast_in_dim3A_133, %scan3A_185 = %broadcast_in_dim3A_131, %scan3A_186 = %broadcast_in_dim3A_135, %scan3A_187 = %broadcast_in_dim3A_131, %scan3A_188 = %broadcast_in_dim3A_137, %scan3A_189 = %broadcast_in_dim3A_131, %scan3A_190 = %broadcast_in_dim3A_139, %scan3A_191 = %broadcast_in_dim3A_131, %scan3A_192 = %broadcast_in_dim3A_141, %scan3A_193 = %broadcast_in_dim3A_131) -> (vector<16xi32>, vector<16xi32>, vector<16xi32>, vector<16xi32>, vector<16xi32>, vector<16xi32>, vector<16xi32>, vector<16xi32>, vector<16xi32>, vector<16xi32>)  : i32 {
        %mul3A_194 = arith.constant 5 : i32
        %mul3A_195 = arith.muli %scan3A_183, %mul3A_194 : i32
        %add3A_196 = arith.constant 0 : i32
        %add3A_197 = arith.addi %mul3A_195, %add3A_196 : i32
        %mul3A_198 = arith.constant 16 : i32
        %mul3A_199 = arith.muli %add3A_197, %mul3A_198 : i32
        %get3A = arith.index_cast %mul3A_199 : i32 to index
        %get3A_200 = tpu.vector_load %arg10[%get3A] {strides = array<i32>} : memref<2000xi32, #tpu.memory_space<vmem>>, vector<16xi32>,
        %get3A_201 = arith.index_cast %mul3A_199 : i32 to index
        %get3A_202 = tpu.vector_load %arg12[%get3A_201] {strides = array<i32>} : memref<2000xi32, #tpu.memory_space<vmem>>, vector<16xi32>,
        %get3A_203 = arith.index_cast %mul3A_199 : i32 to index
        %get3A_204 = tpu.vector_load %arg14[%get3A_203] {strides = array<i32>} : memref<2000xf32, #tpu.memory_space<vmem>>, vector<16xf32>,
        %gather3A = tpu.vector_load_idx %arg7[%get3A_200] : memref<100000xi32, #tpu.memory_space<vmem>>[vector<16xi32>], vector<16xi32>,
        %gather3A_205 = tpu.vector_load_idx %arg7[%get3A_202] : memref<100000xi32, #tpu.memory_space<vmem>>[vector<16xi32>], vector<16xi32>,
        %mul3A_206 = vector.broadcast %scan3A_27 : i32 to vector<16xi32>
        %mul3A_207 = arith.muli %gather3A, %mul3A_206 : vector<16xi32>
        %shift_right_arithmetic3A = arith.constant 15 : i32
        %shift_right_arithmetic3A_208 = vector.broadcast %shift_right_arithmetic3A : i32 to vector<16xi32>
        %shift_right_arithmetic3A_209 = arith.shrsi %mul3A_207, %shift_right_arithmetic3A_208 : vector<16xi32>
        %and3A_210 = arith.constant 7680 : i32
        %and3A_211 = vector.broadcast %and3A_210 : i32 to vector<16xi32>
        %and3A_212 = arith.andi %shift_right_arithmetic3A_209, %and3A_211 : vector<16xi32>
        %mul3A_213 = vector.broadcast %scan3A_27 : i32 to vector<16xi32>
        %mul3A_214 = arith.muli %gather3A_205, %mul3A_213 : vector<16xi32>
        %shift_right_arithmetic3A_215 = arith.constant 19 : i32
        %shift_right_arithmetic3A_216 = vector.broadcast %shift_right_arithmetic3A_215 : i32 to vector<16xi32>
        %shift_right_arithmetic3A_217 = arith.shrsi %mul3A_214, %shift_right_arithmetic3A_216 : vector<16xi32>
        %and3A_218 = arith.constant 480 : i32
        %and3A_219 = vector.broadcast %and3A_218 : i32 to vector<16xi32>
        %and3A_220 = arith.andi %shift_right_arithmetic3A_217, %and3A_219 : vector<16xi32>
        %mul3A_221 = arith.constant 3.200000e+01 : f32
        %mul3A_222 = vector.broadcast %mul3A_221 : f32 to vector<16xf32>
        %mul3A_223 = arith.mulf %get3A_204, %mul3A_222 : vector<16xf32>
        %convert_element_type3A_224 = arith.fptosi %mul3A_223 : vector<16xf32> to vector<16xi32>
        %or3A = arith.ori %and3A_212, %and3A_220 : vector<16xi32>
        %or3A_225 = arith.ori %or3A, %convert_element_type3A_224 : vector<16xi32>
        %mul3A_226 = arith.constant 5 : i32
        %mul3A_227 = arith.muli %scan3A_183, %mul3A_226 : i32
        %add3A_228 = arith.constant 1 : i32
        %add3A_229 = arith.addi %mul3A_227, %add3A_228 : i32
        %mul3A_230 = arith.constant 16 : i32
        %mul3A_231 = arith.muli %add3A_229, %mul3A_230 : i32
        %get3A_232 = arith.index_cast %mul3A_231 : i32 to index
        %get3A_233 = tpu.vector_load %arg10[%get3A_232] {strides = array<i32>} : memref<2000xi32, #tpu.memory_space<vmem>>, vector<16xi32>,
        %get3A_234 = arith.index_cast %mul3A_231 : i32 to index
        %get3A_235 = tpu.vector_load %arg12[%get3A_234] {strides = array<i32>} : memref<2000xi32, #tpu.memory_space<vmem>>, vector<16xi32>,
        %get3A_236 = arith.index_cast %mul3A_231 : i32 to index
        %get3A_237 = tpu.vector_load %arg14[%get3A_236] {strides = array<i32>} : memref<2000xf32, #tpu.memory_space<vmem>>, vector<16xf32>,
        %gather3A_238 = tpu.vector_load_idx %arg7[%get3A_233] : memref<100000xi32, #tpu.memory_space<vmem>>[vector<16xi32>], vector<16xi32>,
        %gather3A_239 = tpu.vector_load_idx %arg7[%get3A_235] : memref<100000xi32, #tpu.memory_space<vmem>>[vector<16xi32>], vector<16xi32>,
        %mul3A_240 = vector.broadcast %scan3A_27 : i32 to vector<16xi32>
        %mul3A_241 = arith.muli %gather3A_238, %mul3A_240 : vector<16xi32>
        %shift_right_arithmetic3A_242 = arith.constant 15 : i32
        %shift_right_arithmetic3A_243 = vector.broadcast %shift_right_arithmetic3A_242 : i32 to vector<16xi32>
        %shift_right_arithmetic3A_244 = arith.shrsi %mul3A_241, %shift_right_arithmetic3A_243 : vector<16xi32>
        %and3A_245 = arith.constant 7680 : i32
        %and3A_246 = vector.broadcast %and3A_245 : i32 to vector<16xi32>
        %and3A_247 = arith.andi %shift_right_arithmetic3A_244, %and3A_246 : vector<16xi32>
        %mul3A_248 = vector.broadcast %scan3A_27 : i32 to vector<16xi32>
        %mul3A_249 = arith.muli %gather3A_239, %mul3A_248 : vector<16xi32>
        %shift_right_arithmetic3A_250 = arith.constant 19 : i32
        %shift_right_arithmetic3A_251 = vector.broadcast %shift_right_arithmetic3A_250 : i32 to vector<16xi32>
        %shift_right_arithmetic3A_252 = arith.shrsi %mul3A_249, %shift_right_arithmetic3A_251 : vector<16xi32>
        %and3A_253 = arith.constant 480 : i32
        %and3A_254 = vector.broadcast %and3A_253 : i32 to vector<16xi32>
        %and3A_255 = arith.andi %shift_right_arithmetic3A_252, %and3A_254 : vector<16xi32>
        %mul3A_256 = arith.constant 3.200000e+01 : f32
        %mul3A_257 = vector.broadcast %mul3A_256 : f32 to vector<16xf32>
        %mul3A_258 = arith.mulf %get3A_237, %mul3A_257 : vector<16xf32>
        %convert_element_type3A_259 = arith.fptosi %mul3A_258 : vector<16xf32> to vector<16xi32>
        %or3A_260 = arith.ori %and3A_247, %and3A_255 : vector<16xi32>
        %or3A_261 = arith.ori %or3A_260, %convert_element_type3A_259 : vector<16xi32>
        %mul3A_262 = arith.constant 5 : i32
        %mul3A_263 = arith.muli %scan3A_183, %mul3A_262 : i32
        %add3A_264 = arith.constant 2 : i32
        %add3A_265 = arith.addi %mul3A_263, %add3A_264 : i32
        %mul3A_266 = arith.constant 16 : i32
        %mul3A_267 = arith.muli %add3A_265, %mul3A_266 : i32
        %get3A_268 = arith.index_cast %mul3A_267 : i32 to index
        %get3A_269 = tpu.vector_load %arg10[%get3A_268] {strides = array<i32>} : memref<2000xi32, #tpu.memory_space<vmem>>, vector<16xi32>,
        %get3A_270 = arith.index_cast %mul3A_267 : i32 to index
        %get3A_271 = tpu.vector_load %arg12[%get3A_270] {strides = array<i32>} : memref<2000xi32, #tpu.memory_space<vmem>>, vector<16xi32>,
        %get3A_272 = arith.index_cast %mul3A_267 : i32 to index
        %get3A_273 = tpu.vector_load %arg14[%get3A_272] {strides = array<i32>} : memref<2000xf32, #tpu.memory_space<vmem>>, vector<16xf32>,
        %gather3A_274 = tpu.vector_load_idx %arg7[%get3A_269] : memref<100000xi32, #tpu.memory_space<vmem>>[vector<16xi32>], vector<16xi32>,
        %gather3A_275 = tpu.vector_load_idx %arg7[%get3A_271] : memref<100000xi32, #tpu.memory_space<vmem>>[vector<16xi32>], vector<16xi32>,
        %mul3A_276 = vector.broadcast %scan3A_27 : i32 to vector<16xi32>
        %mul3A_277 = arith.muli %gather3A_274, %mul3A_276 : vector<16xi32>
        %shift_right_arithmetic3A_278 = arith.constant 15 : i32
        %shift_right_arithmetic3A_279 = vector.broadcast %shift_right_arithmetic3A_278 : i32 to vector<16xi32>
        %shift_right_arithmetic3A_280 = arith.shrsi %mul3A_277, %shift_right_arithmetic3A_279 : vector<16xi32>
        %and3A_281 = arith.constant 7680 : i32
        %and3A_282 = vector.broadcast %and3A_281 : i32 to vector<16xi32>
        %and3A_283 = arith.andi %shift_right_arithmetic3A_280, %and3A_282 : vector<16xi32>
        %mul3A_284 = vector.broadcast %scan3A_27 : i32 to vector<16xi32>
        %mul3A_285 = arith.muli %gather3A_275, %mul3A_284 : vector<16xi32>
        %shift_right_arithmetic3A_286 = arith.constant 19 : i32
        %shift_right_arithmetic3A_287 = vector.broadcast %shift_right_arithmetic3A_286 : i32 to vector<16xi32>
        %shift_right_arithmetic3A_288 = arith.shrsi %mul3A_285, %shift_right_arithmetic3A_287 : vector<16xi32>
        %and3A_289 = arith.constant 480 : i32
        %and3A_290 = vector.broadcast %and3A_289 : i32 to vector<16xi32>
        %and3A_291 = arith.andi %shift_right_arithmetic3A_288, %and3A_290 : vector<16xi32>
        %mul3A_292 = arith.constant 3.200000e+01 : f32
        %mul3A_293 = vector.broadcast %mul3A_292 : f32 to vector<16xf32>
        %mul3A_294 = arith.mulf %get3A_273, %mul3A_293 : vector<16xf32>
        %convert_element_type3A_295 = arith.fptosi %mul3A_294 : vector<16xf32> to vector<16xi32>
        %or3A_296 = arith.ori %and3A_283, %and3A_291 : vector<16xi32>
        %or3A_297 = arith.ori %or3A_296, %convert_element_type3A_295 : vector<16xi32>
        %mul3A_298 = arith.constant 5 : i32
        %mul3A_299 = arith.muli %scan3A_183, %mul3A_298 : i32
        %add3A_300 = arith.constant 3 : i32
        %add3A_301 = arith.addi %mul3A_299, %add3A_300 : i32
        %mul3A_302 = arith.constant 16 : i32
        %mul3A_303 = arith.muli %add3A_301, %mul3A_302 : i32
        %get3A_304 = arith.index_cast %mul3A_303 : i32 to index
        %get3A_305 = tpu.vector_load %arg10[%get3A_304] {strides = array<i32>} : memref<2000xi32, #tpu.memory_space<vmem>>, vector<16xi32>,
        %get3A_306 = arith.index_cast %mul3A_303 : i32 to index
        %get3A_307 = tpu.vector_load %arg12[%get3A_306] {strides = array<i32>} : memref<2000xi32, #tpu.memory_space<vmem>>, vector<16xi32>,
        %get3A_308 = arith.index_cast %mul3A_303 : i32 to index
        %get3A_309 = tpu.vector_load %arg14[%get3A_308] {strides = array<i32>} : memref<2000xf32, #tpu.memory_space<vmem>>, vector<16xf32>,
        %gather3A_310 = tpu.vector_load_idx %arg7[%get3A_305] : memref<100000xi32, #tpu.memory_space<vmem>>[vector<16xi32>], vector<16xi32>,
        %gather3A_311 = tpu.vector_load_idx %arg7[%get3A_307] : memref<100000xi32, #tpu.memory_space<vmem>>[vector<16xi32>], vector<16xi32>,
        %mul3A_312 = vector.broadcast %scan3A_27 : i32 to vector<16xi32>
        %mul3A_313 = arith.muli %gather3A_310, %mul3A_312 : vector<16xi32>
        %shift_right_arithmetic3A_314 = arith.constant 15 : i32
        %shift_right_arithmetic3A_315 = vector.broadcast %shift_right_arithmetic3A_314 : i32 to vector<16xi32>
        %shift_right_arithmetic3A_316 = arith.shrsi %mul3A_313, %shift_right_arithmetic3A_315 : vector<16xi32>
        %and3A_317 = arith.constant 7680 : i32
        %and3A_318 = vector.broadcast %and3A_317 : i32 to vector<16xi32>
        %and3A_319 = arith.andi %shift_right_arithmetic3A_316, %and3A_318 : vector<16xi32>
        %mul3A_320 = vector.broadcast %scan3A_27 : i32 to vector<16xi32>
        %mul3A_321 = arith.muli %gather3A_311, %mul3A_320 : vector<16xi32>
        %shift_right_arithmetic3A_322 = arith.constant 19 : i32
        %shift_right_arithmetic3A_323 = vector.broadcast %shift_right_arithmetic3A_322 : i32 to vector<16xi32>
        %shift_right_arithmetic3A_324 = arith.shrsi %mul3A_321, %shift_right_arithmetic3A_323 : vector<16xi32>
        %and3A_325 = arith.constant 480 : i32
        %and3A_326 = vector.broadcast %and3A_325 : i32 to vector<16xi32>
        %and3A_327 = arith.andi %shift_right_arithmetic3A_324, %and3A_326 : vector<16xi32>
        %mul3A_328 = arith.constant 3.200000e+01 : f32
        %mul3A_329 = vector.broadcast %mul3A_328 : f32 to vector<16xf32>
        %mul3A_330 = arith.mulf %get3A_309, %mul3A_329 : vector<16xf32>
        %convert_element_type3A_331 = arith.fptosi %mul3A_330 : vector<16xf32> to vector<16xi32>
        %or3A_332 = arith.ori %and3A_319, %and3A_327 : vector<16xi32>
        %or3A_333 = arith.ori %or3A_332, %convert_element_type3A_331 : vector<16xi32>
        %mul3A_334 = arith.constant 5 : i32
        %mul3A_335 = arith.muli %scan3A_183, %mul3A_334 : i32
        %add3A_336 = arith.constant 4 : i32
        %add3A_337 = arith.addi %mul3A_335, %add3A_336 : i32
        %mul3A_338 = arith.constant 16 : i32
        %mul3A_339 = arith.muli %add3A_337, %mul3A_338 : i32
        %get3A_340 = arith.index_cast %mul3A_339 : i32 to index
        %get3A_341 = tpu.vector_load %arg10[%get3A_340] {strides = array<i32>} : memref<2000xi32, #tpu.memory_space<vmem>>, vector<16xi32>,
        %get3A_342 = arith.index_cast %mul3A_339 : i32 to index
        %get3A_343 = tpu.vector_load %arg12[%get3A_342] {strides = array<i32>} : memref<2000xi32, #tpu.memory_space<vmem>>, vector<16xi32>,
        %get3A_344 = arith.index_cast %mul3A_339 : i32 to index
        %get3A_345 = tpu.vector_load %arg14[%get3A_344] {strides = array<i32>} : memref<2000xf32, #tpu.memory_space<vmem>>, vector<16xf32>,
        %gather3A_346 = tpu.vector_load_idx %arg7[%get3A_341] : memref<100000xi32, #tpu.memory_space<vmem>>[vector<16xi32>], vector<16xi32>,
        %gather3A_347 = tpu.vector_load_idx %arg7[%get3A_343] : memref<100000xi32, #tpu.memory_space<vmem>>[vector<16xi32>], vector<16xi32>,
        %mul3A_348 = vector.broadcast %scan3A_27 : i32 to vector<16xi32>
        %mul3A_349 = arith.muli %gather3A_346, %mul3A_348 : vector<16xi32>
        %shift_right_arithmetic3A_350 = arith.constant 15 : i32
        %shift_right_arithmetic3A_351 = vector.broadcast %shift_right_arithmetic3A_350 : i32 to vector<16xi32>
        %shift_right_arithmetic3A_352 = arith.shrsi %mul3A_349, %shift_right_arithmetic3A_351 : vector<16xi32>
        %and3A_353 = arith.constant 7680 : i32
        %and3A_354 = vector.broadcast %and3A_353 : i32 to vector<16xi32>
        %and3A_355 = arith.andi %shift_right_arithmetic3A_352, %and3A_354 : vector<16xi32>
        %mul3A_356 = vector.broadcast %scan3A_27 : i32 to vector<16xi32>
        %mul3A_357 = arith.muli %gather3A_347, %mul3A_356 : vector<16xi32>
        %shift_right_arithmetic3A_358 = arith.constant 19 : i32
        %shift_right_arithmetic3A_359 = vector.broadcast %shift_right_arithmetic3A_358 : i32 to vector<16xi32>
        %shift_right_arithmetic3A_360 = arith.shrsi %mul3A_357, %shift_right_arithmetic3A_359 : vector<16xi32>
        %and3A_361 = arith.constant 480 : i32
        %and3A_362 = vector.broadcast %and3A_361 : i32 to vector<16xi32>
        %and3A_363 = arith.andi %shift_right_arithmetic3A_360, %and3A_362 : vector<16xi32>
        %mul3A_364 = arith.constant 3.200000e+01 : f32
        %mul3A_365 = vector.broadcast %mul3A_364 : f32 to vector<16xf32>
        %mul3A_366 = arith.mulf %get3A_345, %mul3A_365 : vector<16xf32>
        %convert_element_type3A_367 = arith.fptosi %mul3A_366 : vector<16xf32> to vector<16xi32>
        %or3A_368 = arith.ori %and3A_355, %and3A_363 : vector<16xi32>
        %or3A_369 = arith.ori %or3A_368, %convert_element_type3A_367 : vector<16xi32>
        %ge3A_370 = arith.constant 0 : i32
        %ge3A_371 = vector.broadcast %ge3A_370 : i32 to vector<16xi32>
        %ge3A_372 = arith.cmpi sge, %scan3A_185, %ge3A_371 : vector<16xi32>
        %lt3A_373 = arith.constant 32 : i32
        %lt3A_374 = vector.broadcast %lt3A_373 : i32 to vector<16xi32>
        %lt3A_375 = arith.cmpi slt, %scan3A_185, %lt3A_374 : vector<16xi32>
        %and3A_376 = arith.andi %ge3A_372, %lt3A_375 : vector<16xi1>
        tpu.vector_store_idx %arg8[%scan3A_184], %broadcast_in_dim3A_25 masked %and3A_376 {add = true} : memref<8192xf32, #tpu.memory_space<vmem>>[vector<16xi32>], vector<16xf32>, vector<16xi1>
        %ge3A_377 = arith.constant 0 : i32
        %ge3A_378 = vector.broadcast %ge3A_377 : i32 to vector<16xi32>
        %ge3A_379 = arith.cmpi sge, %scan3A_187, %ge3A_378 : vector<16xi32>
        %lt3A_380 = arith.constant 32 : i32
        %lt3A_381 = vector.broadcast %lt3A_380 : i32 to vector<16xi32>
        %lt3A_382 = arith.cmpi slt, %scan3A_187, %lt3A_381 : vector<16xi32>
        %and3A_383 = arith.andi %ge3A_379, %lt3A_382 : vector<16xi1>
        tpu.vector_store_idx %arg8[%scan3A_186], %broadcast_in_dim3A_25 masked %and3A_383 {add = true} : memref<8192xf32, #tpu.memory_space<vmem>>[vector<16xi32>], vector<16xf32>, vector<16xi1>
        %ge3A_384 = arith.constant 0 : i32
        %ge3A_385 = vector.broadcast %ge3A_384 : i32 to vector<16xi32>
        %ge3A_386 = arith.cmpi sge, %scan3A_189, %ge3A_385 : vector<16xi32>
        %lt3A_387 = arith.constant 32 : i32
        %lt3A_388 = vector.broadcast %lt3A_387 : i32 to vector<16xi32>
        %lt3A_389 = arith.cmpi slt, %scan3A_189, %lt3A_388 : vector<16xi32>
        %and3A_390 = arith.andi %ge3A_386, %lt3A_389 : vector<16xi1>
        tpu.vector_store_idx %arg8[%scan3A_188], %broadcast_in_dim3A_25 masked %and3A_390 {add = true} : memref<8192xf32, #tpu.memory_space<vmem>>[vector<16xi32>], vector<16xf32>, vector<16xi1>
        %ge3A_391 = arith.constant 0 : i32
        %ge3A_392 = vector.broadcast %ge3A_391 : i32 to vector<16xi32>
        %ge3A_393 = arith.cmpi sge, %scan3A_191, %ge3A_392 : vector<16xi32>
        %lt3A_394 = arith.constant 32 : i32
        %lt3A_395 = vector.broadcast %lt3A_394 : i32 to vector<16xi32>
        %lt3A_396 = arith.cmpi slt, %scan3A_191, %lt3A_395 : vector<16xi32>
        %and3A_397 = arith.andi %ge3A_393, %lt3A_396 : vector<16xi1>
        tpu.vector_store_idx %arg8[%scan3A_190], %broadcast_in_dim3A_25 masked %and3A_397 {add = true} : memref<8192xf32, #tpu.memory_space<vmem>>[vector<16xi32>], vector<16xf32>, vector<16xi1>
        %ge3A_398 = arith.constant 0 : i32
        %ge3A_399 = vector.broadcast %ge3A_398 : i32 to vector<16xi32>
        %ge3A_400 = arith.cmpi sge, %scan3A_193, %ge3A_399 : vector<16xi32>
        %lt3A_401 = arith.constant 32 : i32
        %lt3A_402 = vector.broadcast %lt3A_401 : i32 to vector<16xi32>
        %lt3A_403 = arith.cmpi slt, %scan3A_193, %lt3A_402 : vector<16xi32>
        %and3A_404 = arith.andi %ge3A_400, %lt3A_403 : vector<16xi1>
        tpu.vector_store_idx %arg8[%scan3A_192], %broadcast_in_dim3A_25 masked %and3A_404 {add = true} : memref<8192xf32, #tpu.memory_space<vmem>>[vector<16xi32>], vector<16xf32>, vector<16xi1>
        scf.yield %or3A_225, %convert_element_type3A_224, %or3A_261, %convert_element_type3A_259, %or3A_297, %convert_element_type3A_295, %or3A_333, %convert_element_type3A_331, %or3A_369, %convert_element_type3A_367 : vector<16xi32>, vector<16xi32>, vector<16xi32>, vector<16xi32>, vector<16xi32>, vector<16xi32>, vector<16xi32>, vector<16xi32>, vector<16xi32>, vector<16xi32>
      }
      %scan3A_147 = arith.constant 25 : i32
      %ge3A_148 = arith.constant 0 : i32
      %ge3A_149 = vector.broadcast %ge3A_148 : i32 to vector<16xi32>
      %ge3A_150 = arith.cmpi sge, %scan3A_146#1, %ge3A_149 : vector<16xi32>
      %lt3A_151 = arith.constant 32 : i32
      %lt3A_152 = vector.broadcast %lt3A_151 : i32 to vector<16xi32>
      %lt3A_153 = arith.cmpi slt, %scan3A_146#1, %lt3A_152 : vector<16xi32>
      %and3A_154 = arith.andi %ge3A_150, %lt3A_153 : vector<16xi1>
      tpu.vector_store_idx %arg8[%scan3A_146#0], %broadcast_in_dim3A_25 masked %and3A_154 {add = true} : memref<8192xf32, #tpu.memory_space<vmem>>[vector<16xi32>], vector<16xf32>, vector<16xi1>
      %ge3A_155 = arith.constant 0 : i32
      %ge3A_156 = vector.broadcast %ge3A_155 : i32 to vector<16xi32>
      %ge3A_157 = arith.cmpi sge, %scan3A_146#3, %ge3A_156 : vector<16xi32>
      %lt3A_158 = arith.constant 32 : i32
      %lt3A_159 = vector.broadcast %lt3A_158 : i32 to vector<16xi32>
      %lt3A_160 = arith.cmpi slt, %scan3A_146#3, %lt3A_159 : vector<16xi32>
      %and3A_161 = arith.andi %ge3A_157, %lt3A_160 : vector<16xi1>
      tpu.vector_store_idx %arg8[%scan3A_146#2], %broadcast_in_dim3A_25 masked %and3A_161 {add = true} : memref<8192xf32, #tpu.memory_space<vmem>>[vector<16xi32>], vector<16xf32>, vector<16xi1>
      %ge3A_162 = arith.constant 0 : i32
      %ge3A_163 = vector.broadcast %ge3A_162 : i32 to vector<16xi32>
      %ge3A_164 = arith.cmpi sge, %scan3A_146#5, %ge3A_163 : vector<16xi32>
      %lt3A_165 = arith.constant 32 : i32
      %lt3A_166 = vector.broadcast %lt3A_165 : i32 to vector<16xi32>
      %lt3A_167 = arith.cmpi slt, %scan3A_146#5, %lt3A_166 : vector<16xi32>
      %and3A_168 = arith.andi %ge3A_164, %lt3A_167 : vector<16xi1>
      tpu.vector_store_idx %arg8[%scan3A_146#4], %broadcast_in_dim3A_25 masked %and3A_168 {add = true} : memref<8192xf32, #tpu.memory_space<vmem>>[vector<16xi32>], vector<16xf32>, vector<16xi1>
      %ge3A_169 = arith.constant 0 : i32
      %ge3A_170 = vector.broadcast %ge3A_169 : i32 to vector<16xi32>
      %ge3A_171 = arith.cmpi sge, %scan3A_146#7, %ge3A_170 : vector<16xi32>
      %lt3A_172 = arith.constant 32 : i32
      %lt3A_173 = vector.broadcast %lt3A_172 : i32 to vector<16xi32>
      %lt3A_174 = arith.cmpi slt, %scan3A_146#7, %lt3A_173 : vector<16xi32>
      %and3A_175 = arith.andi %ge3A_171, %lt3A_174 : vector<16xi1>
      tpu.vector_store_idx %arg8[%scan3A_146#6], %broadcast_in_dim3A_25 masked %and3A_175 {add = true} : memref<8192xf32, #tpu.memory_space<vmem>>[vector<16xi32>], vector<16xf32>, vector<16xi1>
      %ge3A_176 = arith.constant 0 : i32
      %ge3A_177 = vector.broadcast %ge3A_176 : i32 to vector<16xi32>
      %ge3A_178 = arith.cmpi sge, %scan3A_146#9, %ge3A_177 : vector<16xi32>
      %lt3A_179 = arith.constant 32 : i32
      %lt3A_180 = vector.broadcast %lt3A_179 : i32 to vector<16xi32>
      %lt3A_181 = arith.cmpi slt, %scan3A_146#9, %lt3A_180 : vector<16xi32>
      %and3A_182 = arith.andi %ge3A_178, %lt3A_181 : vector<16xi1>
      tpu.vector_store_idx %arg8[%scan3A_146#8], %broadcast_in_dim3A_25 masked %and3A_182 {add = true} : memref<8192xf32, #tpu.memory_space<vmem>>[vector<16xi32>], vector<16xf32>, vector<16xi1>
    }
    %scan3A_32 = arith.constant 25 : i32
    "tpu.region"() ({
      %run_scoped3A = tpu.sem_alloc : memref<!tpu.dma_semaphore, #tpu.memory_space<semaphore_mem>>
      %dma_start3A_33 = arith.constant 0 : i32
      %dma_start3A_34 = tpu.memref_slice %arg6[%add3A, %dma_start3A_33] : memref<32x8192xf32, #tpu.memory_space<hbm>> -> memref<1x8192xf32, #tpu.memory_space<hbm>>
      %dma_start3A_35 = tpu.memref_squeeze %dma_start3A_34 : memref<1x8192xf32, #tpu.memory_space<hbm>> -> memref<8192xf32, #tpu.memory_space<hbm>>
      %dma_start3A_36 = arith.constant 0 : i32
      %dma_start3A_37 = tpu.memref_slice %arg6[%add3A, %dma_start3A_36] : memref<32x8192xf32, #tpu.memory_space<hbm>> -> memref<1x8192xf32, #tpu.memory_space<hbm>>
      %dma_start3A_38 = tpu.memref_squeeze %dma_start3A_37 : memref<1x8192xf32, #tpu.memory_space<hbm>> -> memref<8192xf32, #tpu.memory_space<hbm>>
      tpu.enqueue_dma source(%arg8 : memref<8192xf32, #tpu.memory_space<vmem>>) target(%dma_start3A_38 : memref<8192xf32, #tpu.memory_space<hbm>>) target_semaphore(%run_scoped3A : memref<!tpu.dma_semaphore, #tpu.memory_space<semaphore_mem>>)
      %dma_wait3A = arith.constant 0 : i32
      %dma_wait3A_39 = tpu.memref_slice %arg6[%add3A, %dma_wait3A] : memref<32x8192xf32, #tpu.memory_space<hbm>> -> memref<1x8192xf32, #tpu.memory_space<hbm>>
      %dma_wait3A_40 = tpu.memref_squeeze %dma_wait3A_39 : memref<1x8192xf32, #tpu.memory_space<hbm>> -> memref<8192xf32, #tpu.memory_space<hbm>>
      %dma_wait3A_41 = arith.constant 0 : i32
      %dma_wait3A_42 = tpu.memref_slice %arg6[%add3A, %dma_wait3A_41] : memref<32x8192xf32, #tpu.memory_space<hbm>> -> memref<1x8192xf32, #tpu.memory_space<hbm>>
      %dma_wait3A_43 = tpu.memref_squeeze %dma_wait3A_42 : memref<1x8192xf32, #tpu.memory_space<hbm>> -> memref<8192xf32, #tpu.memory_space<hbm>>
      tpu.wait_dma2 semaphore(%run_scoped3A : memref<!tpu.dma_semaphore, #tpu.memory_space<semaphore_mem>>) src(%arg8 : memref<8192xf32, #tpu.memory_space<vmem>>) dst(%dma_wait3A_43 : memref<8192xf32, #tpu.memory_space<hbm>>)
      tpu.yield
    }) : () -> ()
    return
  }
}

module attributes {stable_mosaic.version = 14 : i64} {
  func.func @_unpack_body(%arg0: memref<32x256x32xf32, #tpu.memory_space<vmem>>, %arg1: memref<16x256xf32, #tpu.memory_space<vmem>>, %arg2: memref<1x1xf32, #tpu.memory_space<vmem>>, %arg3: memref<16x32xf32, #tpu.memory_space<vmem>>) attributes {dimension_semantics = [], scalar_prefetch = 0 : i64, scratch_operands = 0 : i64, tpu.core_type = #tpu.core_type<tc>} {
    %get3A = arith.constant 0 : index
    %get3A_0 = arith.constant 0 : index
    %get3A_1 = arith.constant 0 : index
    %get3A_2 = vector.load %arg0[%get3A, %get3A_0, %get3A_1] : memref<32x256x32xf32, #tpu.memory_space<vmem>>, vector<32x256x32xf32>
    %reduce_sum3A = arith.constant dense<0.000000e+00> : vector<256x32xf32>
    %reduce_sum3A_3 = vector.multi_reduction <add>, %get3A_2, %reduce_sum3A [0] : vector<32x256x32xf32> to vector<256x32xf32>
    %get3A_4 = arith.constant 0 : index
    %get3A_5 = arith.constant 0 : index
    %get3A_6 = vector.load %arg1[%get3A_4, %get3A_5] : memref<16x256xf32, #tpu.memory_space<vmem>>, vector<16x256xf32>
    %dot_general3A = arith.constant dense<0.000000e+00> : vector<16x32xf32>
    %dot_general3A_7 = tpu.matmul %get3A_6, %reduce_sum3A_3, %dot_general3A {dimension_numbers = #tpu.dot_dimension_numbers<[1], [0], [0], [1], [0, 0, 1, 1], [], []>, precision = #tpu.contract_precision<fp32>, transpose_lhs_hint = false} : vector<16x256xf32>, vector<256x32xf32>, vector<16x32xf32> -> vector<16x32xf32>
    %get3A_8 = arith.constant 0 : index
    %get3A_9 = arith.constant 0 : index
    %get3A_10 = vector.load %arg2[%get3A_8, %get3A_9] : memref<1x1xf32, #tpu.memory_space<vmem>>, vector<1x1xf32>
    %get3A_11 = vector.extract %get3A_10[0, 0] : f32 from vector<1x1xf32>
    %mul3A = vector.broadcast %get3A_11 : f32 to vector<16x32xf32>
    %mul3A_12 = arith.mulf %dot_general3A_7, %mul3A : vector<16x32xf32>
    %swap3A = arith.constant 0 : index
    %swap3A_13 = arith.constant 0 : index
    %swap3A_14 = vector.load %arg3[%swap3A, %swap3A_13] : memref<16x32xf32, #tpu.memory_space<vmem>>, vector<16x32xf32>
    tpu.vector_store %arg3[%swap3A, %swap3A_13], %mul3A_12 {strides = array<i32>} : memref<16x32xf32, #tpu.memory_space<vmem>>, vector<16x32xf32>,
    return
  }
}

</mosaic_0001>

<sc_bundles>
// kernel: kernel.4.cloned.1.call-start
scs
__scs_entry_jumppad:
0x0: {  	(pc) =	sbr.rel $0x88, $3  }
0x1: {  	(tag) =	ssettag $0x0;
	lr =	simm.s32 $0x1  }
0x2: {  	[smem:$0x3F9C] =	sst lr;
	_ =	strace $0xD0000000  }
0x3: {  	_ = 	snop  }
0x4: {  	_ = 	snop  }
0x5: {  	_ = 	snop  }
0x6: {  	_ = 	snop  }
0x7: {  	_ = 	snop  }
__scs_overlays_trampoline_lowered:
0x8: {  	[smem:$0x3FAB] =	sst s0  }
0x9: {  	[smem:$0x3FAC] =	sst s1  }
0xa: {  	[smem:$0x3FAD] =	sst s2  }
0xb: {  	[smem:$0x3FAE] =	sst s3  }
0xc: {  	[smem:$0x3FAF] =	sst s4  }
0xd: {  	[smem:$0x3FB0] =	sst s5  }
0xe: {  	[smem:$0x3FB1] =	sst s6  }
0xf: {  	[smem:$0x3FB2] =	sst s7  }
0x10: {  	[smem:$0x3FB3] =	sst s8  }
0x11: {  	[smem:$0x3FB4] =	sst s9;
	s0 =	simm.s32 @!p0 $0x0  }
0x12: {  	s1 =	sld [smem:$0x3F9A];
	s0 =	simm.s32 @p0 $0x1  }
0x13: {  	[smem:$0x3FB5] =	sst s0;
	s0 =	simm.s32 @!p1 $0x0  }
0x14: {  	s2 =	sld [smem:$0x3F99];
	s0 =	simm.s32 @p1 $0x1  }
0x15: {  	[smem:$0x3FB6] =	sst s0;
	s0 =	simm.s32 @!p2 $0x0  }
0x16: {  	s3 =	sld [smem:$0x3FDB];
	s0 =	simm.s32 @p2 $0x1  }
0x17: {  	s4 =	simm.s32 $0x1BF5;
	[smem:$0x3FB8] =	sst s0  }
0x18: {  	s0 =	sld [smem:$0x3F9B];
	_ =	swait.ge [sflag:s4], $0x0  }
0x19: {  	s7 =	sld [smem:$0x3F9C]  }
0x1a: {  	s8 =	sadd.s32 $0xFFFFE003, lr  }
0x1b: {  	s9 =	sadd.s32 $0xFFFFFEF7, lr;
	s5 =	simm.s32 $0xFFFFFFFF;
	p2 =	slt.u32 s8, $0xFFFFF086  }
0x1c: {  	p1 =	slt.u32 s9, $0xF7A;
	s5 =	simm.s32 @!p2 $0x0  }
0x1d: {  	s5 =	simm.s32 @p1 $0x1;
	p0 =	seq.s32 s7, s2  }
0x1e: {  	s7 =	smul.u32 @!p0 $0xF7A, s2;
	p2 =	seq.s32 @!p0 s5, $0x0  }
0x1f: {  	s9 =	smul.u32 $0xF7A, s1;
	s8 =	simm.s32 @!p0 $0x1BF5;
	p2 =	por !p2, p0  }
0x20: {  	[sflag:s8] =	ssyncset.s32 @!p0 $0xFFFFF086;
	s6 =	sadd.s32 @!p0 s3, s7;
	s7 =	simm.s32 @!p0 $0x108  }
0x21: {  	s3 =	sadd.s32 s3, s9;
	s6 =	sadd.s32 @!p0 $0x88, s6;
	s7 =	simm.s32 @p2 $0x1082  }
0x22: {  	[simem:s7], [sflag:s8] =	dma.local @!p0 [hbm:s6], $0xF7A  }
0x23: {  	s9 =	sor.u32 $0xD0000000, s2;
	s6 =	simm.s32 $0x108;
	_ =	swait.ge @!p0 [sflag:s8], $0x0  }
0x24: {  	s3 =	sadd.s32 $0x88, s3;
	s6 =	simm.s32 @!p1 $0x1082;
	[sflag:s4] =	ssyncset.s32 $0xFFFFF086  }
0x25: {  	[simem:s6], [sflag:s4] =	dma.local [hbm:s3], $0xF7A  }
0x26: {  	[smem:$0x3F9C] =	sst s1;
	(tag) =	ssettag s2;
	_ =	strace s9  }
0x27: {  	s1 =	sld [smem:$0x3FAC]  }
0x28: {  	s2 =	sld [smem:$0x3FAD]  }
0x29: {  	s4 =	sld [smem:$0x3FAF]  }
0x2a: {  	p0 =	seq.s32 s5, $0x0;
	s5 =	sld [smem:$0x3FB0]  }
0x2b: {  	s6 =	sld [smem:$0x3FB1]  }
0x2c: {  	s7 =	sld [smem:$0x3FB2]  }
0x2d: {  	s3 =	simm.s32 $0x108;
	s8 =	sld [smem:$0x3FB3]  }
0x2e: {  	s3 =	simm.s32 @!p0 $0x1082;
	s9 =	sld [smem:$0x3FB4]  }
0x2f: {  	lr =	sadd.s32 s0, s3;
	s0 =	sld [smem:$0x3FAB]  }
0x30: {  	s3 =	sld [smem:$0x3FAE]  }
0x31: {  	[smem:$0x3FB7] =	sst s10  }
0x32: {  	s10 =	sld [smem:$0x3FB5];
	_ =	sdelay $0x3  }
0x33: {  	p0 =	seq.s32 s10, $0x1;
	s10 =	sld [smem:$0x3FB7];
	_ =	sdelay $0x3  }
0x34: {  	[smem:$0x3FB7] =	sst s10  }
0x35: {  	s10 =	sld [smem:$0x3FB6];
	_ =	sdelay $0x3  }
0x36: {  	p1 =	seq.s32 s10, $0x1;
	s10 =	sld [smem:$0x3FB7];
	_ =	sdelay $0x3  }
0x37: {  	[smem:$0x3FB7] =	sst s10  }
0x38: {  	s10 =	sld [smem:$0x3FB8]  }
0x39: {  	_ = 	snop;
	(pc) =	sbr.ind lr, $3  }
0x3a: {  	_ = 	snop  }
0x3b: {  	_ = 	snop  }
0x3c: {  	p2 =	seq.s32 s10, $0x1;
	s10 =	sld [smem:$0x3FB7]  }
0x3d: {  	_ =	shalt  }
0x3e: {  	_ =	shalt  }
0x3f: {  	_ =	shalt  }
0x40: {  	_ =	shalt  }
0x41: {  	_ =	shalt  }
0x42: {  	_ =	shalt  }
0x43: {  	_ =	shalt  }
0x44: {  	_ =	shalt  }
0x45: {  	_ =	shalt  }
0x46: {  	_ =	shalt  }
0x47: {  	_ =	shalt  }
0x48: {  	_ =	shalt  }
0x49: {  	_ =	shalt  }
0x4a: {  	_ =	shalt  }
0x4b: {  	_ =	shalt  }
0x4c: {  	_ =	shalt  }
0x4d: {  	_ =	shalt  }
0x4e: {  	_ =	shalt  }
0x4f: {  	_ =	shalt  }
0x50: {  	_ =	shalt  }
0x51: {  	_ =	shalt  }
0x52: {  	_ =	shalt  }
0x53: {  	_ =	shalt  }
0x54: {  	_ =	shalt  }
0x55: {  	_ =	shalt  }
0x56: {  	_ =	shalt  }
0x57: {  	_ =	shalt  }
0x58: {  	_ =	shalt  }
0x59: {  	_ =	shalt  }
0x5a: {  	_ =	shalt  }
0x5b: {  	_ =	shalt  }
0x5c: {  	_ =	shalt  }
0x5d: {  	_ =	shalt  }
0x5e: {  	_ =	shalt  }
0x5f: {  	_ =	shalt  }
0x60: {  	_ =	shalt  }
0x61: {  	_ =	shalt  }
0x62: {  	_ =	shalt  }
0x63: {  	_ =	shalt  }
0x64: {  	_ =	shalt  }
0x65: {  	_ =	shalt  }
0x66: {  	_ =	shalt  }
0x67: {  	_ =	shalt  }
0x68: {  	_ =	shalt  }
0x69: {  	_ =	shalt  }
0x6a: {  	_ =	shalt  }
0x6b: {  	_ =	shalt  }
0x6c: {  	_ =	shalt  }
0x6d: {  	_ =	shalt  }
0x6e: {  	_ =	shalt  }
0x6f: {  	_ =	shalt  }
0x70: {  	_ =	shalt  }
0x71: {  	_ =	shalt  }
0x72: {  	_ =	shalt  }
0x73: {  	_ =	shalt  }
0x74: {  	_ =	shalt  }
0x75: {  	_ =	shalt  }
0x76: {  	_ =	shalt  }
0x77: {  	_ =	shalt  }
0x78: {  	_ =	shalt  }
0x79: {  	_ =	shalt  }
0x7a: {  	_ =	shalt  }
0x7b: {  	_ =	shalt  }
0x7c: {  	_ =	shalt  }
0x7d: {  	_ =	shalt  }
0x7e: {  	_ =	shalt  }
0x7f: {  	_ =	shalt  }
0x80: {  	_ =	shalt  }
0x81: {  	_ =	shalt  }
0x82: {  	_ =	shalt  }
0x83: {  	_ =	shalt  }
0x84: {  	_ =	shalt  }
0x85: {  	_ =	shalt  }
0x86: {  	_ =	shalt  }
0x87: {  	_ =	shalt  }
.Lfunc_end0:
.L_simem_size_0:
called_computation_lowered:
.L_overlay_start_0:
0x88: {  	s2 =	sld [smem:$0x3FD9]  }
0x89: {  	s3 =	sld [smem:$0x3FFE];
	_ =	sdelay $0x1  }
0x8a: {  	s1 =	srdreg.scid  }
0x8b: {  	s0 =	sand.u32 $0x1, s1  }
0x8c: {  	s17 =	sshll.u32 s0, $0xA;
	s2 =	sadd.s32 s3, s2  }
0x8d: {  	s2 =	sadd.s32 s2, s17  }
0x8e: {  	[smem:$0x3FC3] =	sst s2  }
0x8f: {  	_ = 	snop  }
0x90: {  	s2 =	sld [smem:$0x3FC9]  }
0x91: {  	s18 =	sld [smem:$0x3FC8]  }
0x92: {  	s4 =	sld [smem:$0x3FC7];
	(tm) =	ssettm $0x1  }
0x93: {  	s5 =	sld [smem:$0x3FFB];
	_ =	sdelay $0x3  }
0x94: {  	_ =	strace s5  }
0x95: {  	s5 =	sld [smem:$0x3FFC];
	_ =	sdelay $0x3  }
0x96: {  	_ =	strace s5  }
0x97: {  	s5 =	sld [smem:$0x3FFD];
	_ =	sdelay $0x3  }
0x98: {  	_ =	strace s5  }
0x99: {  	_ =	strace $0x8FFFFFFF  }
0x9a: {  	s19 =	sld [smem:$0x3FDB];
	_ =	sdelay $0x1  }
0x9b: {  	s6 =	simm.s32 $_scs_section_size  }
0x9c: {  	s7 =	simm.s32 $_size__tile_overlayer_lowered;
	s8 =	simm.s32 $_tile_overlayer_lowered  }
0x9d: {  	s22 =	simm.s32 $0x1BFF;
	s21 =	sshll.u32 s8, $0x1;
	s5 =	sadd.s32 s6, s19  }
0x9e: {  	s9 =	simm.s32 $0x0;
	s20 =	sshll.u32 s7, $0x1;
	s7 =	sadd.s32 s21, s5  }
0x9f: {  	[timem:s9], [sflag:s22] =	dma.local [hbm:s7], s20  }
0xa0: {  	_ =	swait.ge [sflag:s22], s20  }
0xa1: {  	s6 =	ssub.s32 $0x0, s20;
	[sflag:s22] =	ssyncset.done $0x0  }
0xa2: {  	[sflag:s22] =	ssyncadd.s32 s6;
	_ =	sdelay $0x1  }
0xa3: {  	s23 =	simm.s32 $0x1B8B  }
0xa4: {  	_ =	swait.ge [sflag:s23], $0x1  }
0xa5: {  	[sflag:s23] =	ssyncset.done $0x0  }
0xa6: {  	s25 =	simm.s32 $0x1B8E;
	s24 =	sld [smem:$0x3FFE];
	[sflag:s23] =	ssyncadd.s32 $0xFFFFFFFF  }
0xa7: {  	s26 =	simm.s32 $execute0_lowered;
	[smem:$0x3FD2] =	sst s25  }
0xa8: {  	s7 =	sshll.u32 s26, $0x1;
	_ =	strace $0x80000046;
	[dreg:$0x1] =	wrdreg $0xFFFFFFFF  }
0xa9: {  	s28 =	simm.s32 $_size_execute0_lowered;
	s5 =	sadd.s32 s5, s7;
	[dreg:$0x0] =	wrdreg $0x0  }
0xaa: {  	s7 =	sshll.u32 s28, $0x1;
	[dreg:$0x2] =	wrdreg s5  }
0xab: {  	[dreg:$0x3] =	wrdreg s7  }
0xac: {  	[dreg:$0x4] =	wrdreg $0xC0  }
0xad: {  	_ =	task [dreg:s9], $0x5FFFF  }
0xae: {  	[dreg:$0x1] =	wrdreg $0xFFFFFFFF  }
0xaf: {  	[dreg:$0x0] =	wrdreg $0x60  }
0xb0: {  	[dreg:$0x2] =	wrdreg s18  }
0xb1: {  	[dreg:$0x3] =	wrdreg s4  }
0xb2: {  	[dreg:$0x4] =	wrdreg s2  }
0xb3: {  	[dreg:$0x5] =	wrdreg s24  }
0xb4: {  	[dreg:$0x6] =	wrdreg $0x1D7000  }
0xb5: {  	[dreg:$0x7] =	wrdreg $0x9  }
0xb6: {  	_ =	task.clear_ibuf [dreg:s9], $0x8FFFF;
	_ =	strace $0x90000046  }
0xb7: {  	s29 =	simm.s32 $0x9;
	_ =	strace $0x80000048  }
0xb8: {  	_ =	swait.ge [sflag:s29], $0x1  }
0xb9: {  	[sflag:s29] =	ssyncadd.s32 $0xFFFFFFFF  }
0xba: {  	_ =	strace $0x90000048  }
0xbb: {  	_ =	sfence  }
0xbc: {  	s30 =	sld [smem:$0x0];
	_ =	sdelay $0x2  }
0xbd: {  	s31 =	sshll.u32 s1, $0xD;
	s1 =	sshrl.u32 s1, $0x2  }
0xbe: {  	s3 =	sand.u32 $0x4000, s31;
	s1 =	sadd.s32 s1, s30  }
0xbf: {  	s0 =	sor.u32 s3, s0;
	s1 =	sshll.u32 s1, $0x11  }
0xc0: {  	s0 =	sor.u32 s1, s0  }
0xc1: {  	s0 =	sadd.s32 $0x8F2B, s0  }
0xc2: {  	[sflag:s0] =	ssyncadd.remote.s32 $0x1  }
0xc3: {  	_ =	sfence.sel $0xFFFF  }
0xc4: {  	[dreg:$0x0] =	wrdreg $0xFFFFFFFF;
	(pc) =	sbr.abs _section_cstart, $3  }
0xc5: {  	[dreg:$0x1] =	wrdreg $0xFFFFFFFF  }
0xc6: {  	_ =	task.clear_ibuf [dreg:s9], $0x2FFFF;
	_ =	strace $0x9FFFFFFF  }
0xc7: {  	(tm) =	ssettm $0x7FFFFFFF  }
tec
execute0_lowered:
.L_overlay_start_1:
0x0: {  	(tag) =	ssettag $0x1  }
0x1: {  	s1 =	rddreg [dreg:$0x0]  }
0x2: {  	s2 =	rddreg [dreg:$0x1]  }
0x3: {  	s3 =	rddreg [dreg:$0x2]  }
0x4: {  	s0 =	rddreg [dreg:$0x3]  }
0x5: {  	s14 =	rddreg [dreg:$0x4];
	s6 =	simm.s32 $0x0  }
0x6: {  	s19 =	stileid.u32;
	s4 =	srdreg.scid;
	s22 =	simm.s32 $0x4  }
0x7: {  	s23 =	simm.s32 $0x1;
	s24 =	simm.s32 $0x1AF00;
	s25 =	simm.s32 $0x1BF00  }
0x8: {  	s28 =	simm.s32 $0x18700;
	s29 =	simm.s32 $0x2;
	s31 =	simm.s32 $0x400  }
0x9: {  	s7 =	smul.u32 $0x1870, s19;
	s4 =	sand.u32 $0x1, s4;
	s5 =	sshll.u32 s19, $0x1  }
0xa: {  	[smem:$0x7FF] =	sst s6;
	s26 =	sshll.u32 s19, $0xB;
	s13 =	sadd.s32 $0x2FD2, s0  }
0xb: {  	p0 =	seq.s32 s19, $0xF;
	s5 =	sor.u32 s4, s5;
	_ =	strace $0x80000047  }
0xc: {  	s4 =	ssub.s32 $0x2, s4;
	s8 =	sshrl.u32 s7, $0x3;
	s16 =	smul.u32 $0x186A0, s5  }
0xd: {  	s9 =	sshrl.u32 s4, $0x1;
	s5 =	sshll.u32 s5, $0x4;
	s12 =	sadd.s32 s7, s14  }
0xe: {  	s14 =	sadd.s32 $0x16E90, s14;
	s11 =	sadd.s32 s8, s0;
	s8 =	sand.u32 $0x6000, s26  }
0xf: {  	s4 =	ssub.s32 s4, s9;
	s5 =	sand.u32 $0x70, s5;
	s26 =	simm.s32 $0x1CF00  }
0x10: {  	s10 =	sshrl.u32 s16, $0x3;
	s15 =	sadd.s32 s8, s0;
	s11 =	sadd.s32 $0x200, s11  }
0x11: {  	s18 =	smax.u32 s4, $0x1;
	s0 =	simm.s32 $0x0;
	s8 =	sadd.s32 s1, s10  }
0x12: {  	s9 =	sadd.s32 s2, s10;
	s10 =	sadd.s32 s3, s10;
	s30 =	sadd.s32 s5, s15  }
0x13: {  	v0 =	vimm.f32 $0.0e+00;
	v1 =	vimm.f32 $1.000000000e+00;
	s15 =	sadd.s32 $0x7D0, s16;
	s16 =	sadd.s32 $0xFA0, s16;
	s17 =	sadd.s32 $0x3400, s30  }
.LBB2_1:
0x14: {  	s4 =	simm.s32 $0x1A700  }
0x15: {  	[tilespmem:s4], [sflag:$0x1] =	stream.linear.gather [hbm4b:s8+s6], $0x7D0, $0x38;
	[tilespmem:$0x1EF70] =	vst v63  }
0x16: {  	s21 =	simm.s32 $0x1B700  }
0x17: {  	[tilespmem:s21], [sflag:$0x1] =	stream.linear.gather [hbm4b:s9+s6], $0x7D0, $0x38;
	[tilespmem:$0x1EF70] =	vst v63  }
0x18: {  	s30 =	simm.s32 $0x1C700  }
0x19: {  	[tilespmem:s30], [sflag:$0x1] =	stream.linear.gather [hbm4b:s10+s6], $0x7D0, $0x38;
	[tilespmem:$0x1EF70] =	vst v63  }
0x1a: {  	s5 =	simm.s32 @p0 $0x16E90;
	s4 =	simm.s32 @p0 $0x0  }
0x1b: {  	[tilespmem:s5], [sflag:$0x3] =	stream.linear.gather @p0 [hbm4b:s13+s4], $0x1810, $0x38;
	[tilespmem:$0x1EF70] =	vst v63  }
0x1c: {  	s4 =	simm.s32 @p0 $0x3  }
0x1d: {  	_ =	swait.ge @p0 [sflag:s4], $0x1810  }
0x1e: {  	[sflag:s4] =	ssyncset.done @p0 $0x0  }
0x1f: {  	[sflag:s4] =	ssyncadd.s32 @p0 $0xFFFFE7F0;
	s4 =	simm.s32 @p0 $0x4  }
0x20: {  	[spmem:s14] =	stream.linear.scatter @p0 [tilespmem:s5], [sflag:$0x4], $0x1810, $0x38;
	[tilespmem:$0x1EF70] =	vst v63  }
0x21: {  	_ =	swait.ge @p0 [sflag:s4], $0x1810  }
0x22: {  	[sflag:s4] =	ssyncset.done @p0 $0x0  }
0x23: {  	[sflag:s4] =	ssyncadd.s32 @p0 $0xFFFFE7F0;
	s4 =	simm.s32 @!p0 $0x0  }
0x24: {  	[tilespmem:s7], [sflag:$0x3] =	stream.linear.gather @!p0 [hbm4b:s11+s4], $0x1870, $0x38;
	[tilespmem:$0x1EF70] =	vst v63  }
0x25: {  	s4 =	simm.s32 @!p0 $0x3  }
0x26: {  	_ =	swait.ge @!p0 [sflag:s4], $0x1870  }
0x27: {  	[sflag:s4] =	ssyncset.done @!p0 $0x0  }
0x28: {  	[sflag:s4] =	ssyncadd.s32 @!p0 $0xFFFFE790;
	s4 =	simm.s32 @!p0 $0x4  }
0x29: {  	[spmem:s12] =	stream.linear.scatter @!p0 [tilespmem:s7], [sflag:$0x4], $0x1870, $0x38;
	[tilespmem:$0x1EF70] =	vst v63  }
0x2a: {  	_ =	swait.ge @!p0 [sflag:s4], $0x1870  }
0x2b: {  	[sflag:s4] =	ssyncset.done @!p0 $0x0  }
0x2c: {  	[sflag:s4] =	ssyncadd.s32 @!p0 $0xFFFFE790;
	s4 =	simm.s32 $0x18740  }
0x2d: {  	[tilespmem:s4+$0xFFFFFFC0] =	vst v0  }
0x2e: {  	[tilespmem:s4+$0x30] =	vst v0  }
0x2f: {  	[tilespmem:s4+$0x20] =	vst v0  }
0x30: {  	[tilespmem:s4+$0x10] =	vst v0  }
0x31: {  	[tilespmem:s4+$0x0] =	vst v0  }
0x32: {  	[tilespmem:s4+$0xFFFFFFF0] =	vst v0  }
0x33: {  	s5 =	simm.s32 $0x0;
	[tilespmem:s4+$0xFFFFFFE0] =	vst v0  }
.LBB2_2:
0x34: {  	s5 =	sadd.s32 $0x8, s5;
	[tilespmem:s4+$0xFFFFFFD0] =	vst v0;
	s4 =	sadd.s32 $0x80, s4  }
0x35: {  	[tilespmem:s4+$0xFFFFFFC0] =	vst v0;
	p1 =	slt.u32 s5, $0x1F8  }
0x36: {  	[tilespmem:s4+$0x30] =	vst v0  }
.Ltmp0:
0x37: {  	[tilespmem:s4+$0x20] =	vst v0;
	(pc) =	sbr.rel @p1 .LBB2_2-.Ltmp0, $4  }
0x38: {  	[tilespmem:s4+$0x10] =	vst v0  }
0x39: {  	[tilespmem:s4+$0x0] =	vst v0  }
0x3a: {  	[tilespmem:s4+$0xFFFFFFF0] =	vst v0  }
0x3b: {  	[tilespmem:s4+$0xFFFFFFE0] =	vst v0  }
0x3c: {  	[tilespmem:s4+$0xFFFFFFD0] =	vst v0  }
0x3d: {  	[bflag:$0x0] =	sbarrier.arrive $0xFFFF  }
0x3e: {  	s4 =	simm.s32 $0x0;
	s5 =	rddreg [dreg:$0x4]  }
0x3f: {  	[tilespmem:s4], [sflag:$0x4] =	stream.linear.gather [spmem:s5], $0x18700, $0x38;
	[tilespmem:$0x1EF70] =	vst v63  }
0x40: {  	_ =	swait.ge [sflag:s22], $0x18700  }
0x41: {  	[sflag:s22] =	ssyncset.done $0x0  }
0x42: {  	s19 =	simm.s32 $0x0;
	[sflag:s22] =	ssyncadd.s32 $0xFFFE7900  }
.LBB2_4:
0x43: {  	_ =	swait.ge [sflag:s23], $0x7D0  }
0x44: {  	[sflag:s23] =	ssyncset.done $0x0  }
0x45: {  	[sflag:s23] =	ssyncadd.s32 $0xFFFFF830  }
0x46: {  	_ =	swait.ge [sflag:s23], $0x7D0  }
0x47: {  	s20 =	smul.u32 $0xFA0, s19;
	[sflag:s23] =	ssyncset.done $0x0  }
0x48: {  	[sflag:s23] =	ssyncadd.s32 $0xFFFFF830  }
0x49: {  	s5 =	sadd.s32 s20, s15;
	_ =	swait.ge [sflag:s23], $0x7D0  }
0x4a: {  	s5 =	sshrl.u32 s5, $0x3;
	[sflag:s23] =	ssyncset.done $0x0  }
0x4b: {  	s21 =	sadd.s32 s1, s5;
	[sflag:s23] =	ssyncadd.s32 $0xFFFFF830  }
0x4c: {  	[tilespmem:s24], [sflag:$0x2] =	stream.linear.gather [hbm4b:s21+s4], $0x7D0, $0x38;
	[tilespmem:$0x1EF70] =	vst v63  }
0x4d: {  	s30 =	sadd.s32 s2, s5  }
0x4e: {  	[tilespmem:s25], [sflag:$0x2] =	stream.linear.gather [hbm4b:s30+s4], $0x7D0, $0x38;
	[tilespmem:$0x1EF70] =	vst v63  }
0x4f: {  	s5 =	sadd.s32 s3, s5;
	s30 =	simm.s32 $0x0  }
0x50: {  	[tilespmem:s26], [sflag:$0x2] =	stream.linear.gather [hbm4b:s5+s4], $0x7D0, $0x38;
	[tilespmem:$0x1EF70] =	vst v63  }
0x51: {  	v2 =	vld [tilespmem:s30+$0x1C740]  }
0x52: {  	v3 =	vld [tilespmem:s30+$0x1C720]  }
0x53: {  	v4 =	vld [tilespmem:s30+$0x1C730]  }
0x54: {  	v5 =	vld [tilespmem:s30+$0x1C700]  }
0x55: {  	v6 =	vld [tilespmem:s30+$0x1B720]  }
0x56: {  	v7 =	vld [tilespmem:s30+$0x1A720]  }
0x57: {  	v8 =	vld [tilespmem:s30+$0x1C710]  }
0x58: {  	v9 =	vld [tilespmem:s30+$0x1B730]  }
0x59: {  	v10 =	vld [tilespmem:s30+$0x1A740]  }
0x5a: {  	v11 =	vld [tilespmem:s30+$0x1A730]  }
0x5b: {  	v12 =	vld [tilespmem:s30+$0x1B740]  }
0x5c: {  	v13 =	vld [tilespmem:s30+$0x1A700]  }
0x5d: {  	v14 =	vld [tilespmem:s30+$0x1B710]  }
0x5e: {  	v15 =	vld [tilespmem:s30+$0x1A710]  }
0x5f: {  	v16 =	vld [tilespmem:s30+$0x1B700]  }
0x60: {  	v9 =	vld.idx.msk [tilespmem:v9+s6+$0x0], $0xffff  }
0x61: {  	v10 =	vld.idx.msk [tilespmem:v10+s6+$0x0], $0xffff  }
0x62: {  	v11 =	vld.idx.msk [tilespmem:v11+s6+$0x0], $0xffff  }
0x63: {  	v3 =	vmul.f32 $3.200000000e+01, v3;
	v17 =	vmul.f32 $3.200000000e+01, v4;
	v12 =	vld.idx.msk [tilespmem:v12+s6+$0x0], $0xffff  }
0x64: {  	v18 =	vimm.s32 $0xFFFFFFFF;
	v5 =	vmul.f32 $3.200000000e+01, v5;
	v2 =	vmul.f32 $3.200000000e+01, v2;
	v13 =	vld.idx.msk [tilespmem:v13+s6+$0x0], $0xffff  }
0x65: {  	vm1 =	vlt.u32 v18, $0x20;
	v8 =	vmul.f32 $3.200000000e+01, v8;
	v3 =	vtrunc.f32 v3;
	v19 =	vld.idx.msk [tilespmem:v6+s6+$0x0], $0xffff  }
0x66: {  	v4 =	vimm.s32 $0x0;
	v17 =	vtrunc.f32 v17;
	v5 =	vtrunc.f32 v5;
	v20 =	vld.idx.msk [tilespmem:v7+s6+$0x0], $0xffff  }
0x67: {  	vm0 =	vlt.u32 v18, $0x20;
	v2 =	vtrunc.f32 v2;
	v8 =	vtrunc.f32 v8  }
0x68: {  	v7 =	vcvt.f32.s32 v2;
	v2 =	vcvt.f32.s32 v3;
	v21 =	vmul.u32 $0x1020408, v9;
	v9 =	vld.idx.msk [tilespmem:v16+s6+$0x0], $0xffff  }
0x69: {  	v3 =	vcvt.f32.s32 v17;
	v6 =	vcvt.f32.s32 v5;
	v16 =	vmul.u32 $0x1020408, v10;
	v10 =	vld.idx.msk [tilespmem:v14+s6+$0x0], $0xffff  }
0x6a: {  	v5 =	vcvt.f32.s32 v8;
	v14 =	vmul.u32 $0x1020408, v11;
	v11 =	vld.idx.msk [tilespmem:v15+s6+$0x0], $0xffff;
	v17 =	vmul.u32 $0x1020408, v13  }
0x6b: {  	[tilespmem:v4+s28+$0x0] =	vst.idx.add.f32.msk vm1, v1;
	v18 =	vmul.u32 $0x1020408, v19;
	v12 =	vmul.u32 $0x1020408, v12;
	v13 =	vmul.u32 $0x1020408, v20  }
0x6c: {  	[tilespmem:v4+s28+$0x0] =	vst.idx.add.f32.msk vm1, v1;
	v8 =	vshrl.u32 v16, $0xF;
	v14 =	vshrl.u32 v14, $0xF;
	v15 =	vshrl.u32 v21, $0x13  }
0x6d: {  	[tilespmem:v4+s28+$0x0] =	vst.idx.add.f32.msk vm1, v1;
	v17 =	vshrl.u32 v17, $0xF;
	v12 =	vshrl.u32 v12, $0x13;
	v8 =	vand.u32 $0x1E00, v8  }
0x6e: {  	s5 =	simm.s32 $0x140;
	v14 =	vand.u32 $0x1E00, v14;
	v16 =	vand.u32 $0x1E0, v15;
	v15 =	vshrl.u32 v18, $0x13;
	[tilespmem:v4+s28+$0x0] =	vst.idx.add.f32.msk vm1, v1  }
.LBB2_5:
0x6f: {  	s21 =	sshra.s32 s5, $0x2;
	p1 =	sne.s32 s5, $0x1E00;
	s5 =	sadd.s32 $0x140, s5;
	v9 =	vmul.u32 $0x1020408, v9;
	v10 =	vmul.u32 $0x1020408, v10;
	v14 =	vor.u32 v16, v14;
	[tilespmem:v4+s28+$0x0] =	vst.idx.add.f32.msk vm0, v1;
	v16 =	vmovc v7  }
0x70: {  	v4 =	vand.u32 $0x1E00, v17;
	v11 =	vmul.u32 $0x1020408, v11;
	v15 =	vand.u32 $0x1E0, v15;
	v18 =	vld [tilespmem:s21+$0x1C740]  }
0x71: {  	v13 =	vshrl.u32 v13, $0xF;
	v17 =	vld [tilespmem:s21+$0x1C720];
	v9 =	vshrl.u32 v9, $0x13;
	v10 =	vshrl.u32 v10, $0x13  }
0x72: {  	v11 =	vshrl.u32 v11, $0xF;
	v19 =	vld [tilespmem:s21+$0x1C730];
	v9 =	vand.u32 $0x1E0, v9;
	v10 =	vand.u32 $0x1E0, v10  }
0x73: {  	v20 =	vld [tilespmem:s21+$0x1C700];
	v4 =	vor.u32 v9, v4;
	v9 =	vand.u32 $0x1E00, v11;
	v11 =	vand.u32 $0x1E0, v12  }
0x74: {  	v12 =	vld [tilespmem:s21+$0x1B720];
	v21 =	vor.u32 v6, v4;
	v4 =	vor.u32 v10, v9;
	v9 =	vand.u32 $0x1E00, v13  }
0x75: {  	v8 =	vor.u32 v11, v8;
	v10 =	vld [tilespmem:s21+$0x1A720];
	v13 =	vor.u32 v5, v4;
	v4 =	vor.u32 v15, v9  }
0x76: {  	v22 =	vor.u32 v3, v14;
	v9 =	vld [tilespmem:s21+$0x1C710];
	v15 =	vor.u32 v2, v4;
	v4 =	vor.u32 v7, v8  }
0x77: {  	v7 =	vmul.f32 $3.200000000e+01, v17;
	v8 =	vld [tilespmem:s21+$0x1B730];
	v11 =	vmul.f32 $3.200000000e+01, v19  }
0x78: {  	v18 =	vmul.f32 $3.200000000e+01, v18;
	v14 =	vmul.f32 $3.200000000e+01, v20;
	v17 =	vld [tilespmem:s21+$0x1A740]  }
0x79: {  	v19 =	vtrunc.f32 v7;
	v7 =	vld [tilespmem:s21+$0x1A730];
	v11 =	vtrunc.f32 v11  }
0x7a: {  	v18 =	vtrunc.f32 v18;
	v14 =	vtrunc.f32 v14;
	v20 =	vld [tilespmem:s21+$0x1B740]  }
0x7b: {  	v23 =	vld [tilespmem:s21+$0x1A700];
	v9 =	vmul.f32 $3.200000000e+01, v9  }
0x7c: {  	v24 =	vld [tilespmem:s21+$0x1B710]  }
0x7d: {  	v25 =	vld [tilespmem:s21+$0x1A710];
	v26 =	vtrunc.f32 v9  }
0x7e: {  	v9 =	vld [tilespmem:s21+$0x1B700]  }
0x7f: {  	v8 =	vld.idx.msk [tilespmem:v8+s6+$0x0], $0xffff  }
0x80: {  	v17 =	vld.idx.msk [tilespmem:v17+s6+$0x0], $0xffff  }
0x81: {  	v27 =	vld.idx.msk [tilespmem:v7+s6+$0x0], $0xffff  }
0x82: {  	v20 =	vld.idx.msk [tilespmem:v20+s6+$0x0], $0xffff  }
0x83: {  	vm1 =	vlt.u32 v6, $0x20;
	v23 =	vld.idx.msk [tilespmem:v23+s6+$0x0], $0xffff  }
0x84: {  	vm2 =	vlt.u32 v5, $0x20;
	v12 =	vld.idx.msk [tilespmem:v12+s6+$0x0], $0xffff  }
0x85: {  	vm3 =	vlt.u32 v2, $0x20;
	v7 =	vcvt.f32.s32 v18;
	v8 =	vmul.u32 $0x1020408, v8;
	v28 =	vld.idx.msk [tilespmem:v10+s6+$0x0], $0xffff  }
0x86: {  	vm4 =	vlt.u32 v3, $0x20;
	v2 =	vcvt.f32.s32 v19;
	v17 =	vmul.u32 $0x1020408, v17;
	v9 =	vld.idx.msk [tilespmem:v9+s6+$0x0], $0xffff  }
0x87: {  	vm0 =	vlt.u32 v16, $0x20;
	v3 =	vcvt.f32.s32 v11;
	v18 =	vmul.u32 $0x1020408, v27;
	v10 =	vld.idx.msk [tilespmem:v24+s6+$0x0], $0xffff  }
.Ltmp1:
0x88: {  	v6 =	vcvt.f32.s32 v14;
	v5 =	vcvt.f32.s32 v26;
	v14 =	vshrl.u32 v17, $0xF;
	v11 =	vld.idx.msk [tilespmem:v25+s6+$0x0], $0xffff;
	(pc) =	sbr.rel @p1 .LBB2_5-.Ltmp1, $4  }
0x89: {  	v17 =	vshrl.u32 v8, $0x13;
	v16 =	vshrl.u32 v18, $0xF;
	v8 =	vand.u32 $0x1E00, v14;
	[tilespmem:v21+s28+$0x0] =	vst.idx.add.f32.msk vm1, v1  }
0x8a: {  	v19 =	vmul.u32 $0x1020408, v20;
	v18 =	vmul.u32 $0x1020408, v23;
	v12 =	vmul.u32 $0x1020408, v12;
	[tilespmem:v13+s28+$0x0] =	vst.idx.add.f32.msk vm2, v1  }
0x8b: {  	v14 =	vand.u32 $0x1E00, v16;
	v16 =	vand.u32 $0x1E0, v17;
	v13 =	vmul.u32 $0x1020408, v28;
	[tilespmem:v15+s28+$0x0] =	vst.idx.add.f32.msk vm3, v1  }
0x8c: {  	v17 =	vshrl.u32 v18, $0xF;
	v15 =	vshrl.u32 v12, $0x13;
	v12 =	vshrl.u32 v19, $0x13;
	[tilespmem:v22+s28+$0x0] =	vst.idx.add.f32.msk vm4, v1  }
0x8d: {  	v9 =	vmul.u32 $0x1020408, v9  }
0x8e: {  	v10 =	vmul.u32 $0x1020408, v10;
	v14 =	vor.u32 v16, v14;
	v16 =	vand.u32 $0x1E00, v17  }
0x8f: {  	v11 =	vmul.u32 $0x1020408, v11;
	v15 =	vand.u32 $0x1E0, v15;
	v13 =	vshrl.u32 v13, $0xF  }
0x90: {  	vm1 =	vlt.u32 v6, $0x20;
	vm2 =	vlt.u32 v5, $0x20;
	v9 =	vshrl.u32 v9, $0x13  }
0x91: {  	v10 =	vshrl.u32 v10, $0x13;
	v11 =	vshrl.u32 v11, $0xF;
	v9 =	vand.u32 $0x1E0, v9  }
0x92: {  	v10 =	vand.u32 $0x1E0, v10;
	v11 =	vand.u32 $0x1E00, v11;
	v9 =	vor.u32 v9, v16  }
0x93: {  	v9 =	vor.u32 v6, v9;
	v6 =	vor.u32 v10, v11;
	v10 =	vand.u32 $0x1E00, v13  }
0x94: {  	vm3 =	vlt.u32 v2, $0x20;
	v5 =	vor.u32 v5, v6;
	v6 =	vor.u32 v15, v10  }
0x95: {  	vm4 =	vlt.u32 v3, $0x20;
	v10 =	vand.u32 $0x1E0, v12;
	v2 =	vor.u32 v2, v6  }
0x96: {  	vm5 =	vlt.u32 v7, $0x20;
	v3 =	vor.u32 v3, v14;
	v6 =	vor.u32 v10, v8  }
0x97: {  	[tilespmem:v4+s28+$0x0] =	vst.idx.add.f32.msk vm0, v1;
	v4 =	vor.u32 v7, v6  }
0x98: {  	[tilespmem:v9+s28+$0x0] =	vst.idx.add.f32.msk vm1, v1  }
0x99: {  	[tilespmem:v5+s28+$0x0] =	vst.idx.add.f32.msk vm2, v1  }
0x9a: {  	[tilespmem:v2+s28+$0x0] =	vst.idx.add.f32.msk vm3, v1  }
0x9b: {  	[tilespmem:v3+s28+$0x0] =	vst.idx.add.f32.msk vm4, v1  }
0x9c: {  	[tilespmem:v4+s28+$0x0] =	vst.idx.add.f32.msk vm5, v1  }
0x9d: {  	_ =	swait.ge [sflag:s29], $0x7D0  }
0x9e: {  	[sflag:s29] =	ssyncset.done $0x0  }
0x9f: {  	[sflag:s29] =	ssyncadd.s32 $0xFFFFF830  }
0xa0: {  	_ =	swait.ge [sflag:s29], $0x7D0  }
0xa1: {  	[sflag:s29] =	ssyncset.done $0x0  }
0xa2: {  	p1 =	seq.s32 s19, $0x18;
	[sflag:s29] =	ssyncadd.s32 $0xFFFFF830  }
0xa3: {  	s5 =	sadd.s32 @!p1 s20, s16;
	_ =	swait.ge [sflag:s29], $0x7D0  }
0xa4: {  	s21 =	simm.s32 @!p1 $0x0;
	s5 =	sshrl.u32 @!p1 s5, $0x3;
	[sflag:s29] =	ssyncset.done $0x0  }
0xa5: {  	s30 =	simm.s32 @!p1 $0x1A700;
	s20 =	sadd.s32 @!p1 s1, s5;
	[sflag:s29] =	ssyncadd.s32 $0xFFFFF830  }
0xa6: {  	[tilespmem:s30], [sflag:$0x1] =	stream.linear.gather @!p1 [hbm4b:s20+s21], $0x7D0, $0x38;
	[tilespmem:$0x1EF70] =	vst v63  }
0xa7: {  	s20 =	sadd.s32 @!p1 s2, s5;
	s30 =	simm.s32 @!p1 $0x1B700  }
0xa8: {  	[tilespmem:s30], [sflag:$0x1] =	stream.linear.gather @!p1 [hbm4b:s20+s21], $0x7D0, $0x38;
	[tilespmem:$0x1EF70] =	vst v63  }
0xa9: {  	s5 =	sadd.s32 @!p1 s3, s5;
	s20 =	simm.s32 @!p1 $0x1C700;
	s30 =	simm.s32 $0x0  }
0xaa: {  	[tilespmem:s20], [sflag:$0x1] =	stream.linear.gather @!p1 [hbm4b:s5+s21], $0x7D0, $0x38;
	[tilespmem:$0x1EF70] =	vst v63  }
0xab: {  	v2 =	vld [tilespmem:s30+$0x1CF40]  }
0xac: {  	v3 =	vld [tilespmem:s30+$0x1CF20]  }
0xad: {  	v4 =	vld [tilespmem:s30+$0x1CF30]  }
0xae: {  	v5 =	vld [tilespmem:s30+$0x1CF00]  }
0xaf: {  	v6 =	vld [tilespmem:s30+$0x1BF20]  }
0xb0: {  	v7 =	vld [tilespmem:s30+$0x1AF20]  }
0xb1: {  	v8 =	vld [tilespmem:s30+$0x1CF10]  }
0xb2: {  	v9 =	vld [tilespmem:s30+$0x1BF30]  }
0xb3: {  	v10 =	vld [tilespmem:s30+$0x1AF40]  }
0xb4: {  	v11 =	vld [tilespmem:s30+$0x1AF30]  }
0xb5: {  	v12 =	vld [tilespmem:s30+$0x1BF40]  }
0xb6: {  	v13 =	vld [tilespmem:s30+$0x1AF00]  }
0xb7: {  	v14 =	vld [tilespmem:s30+$0x1BF10]  }
0xb8: {  	v15 =	vld [tilespmem:s30+$0x1AF10]  }
0xb9: {  	v16 =	vld [tilespmem:s30+$0x1BF00]  }
0xba: {  	v9 =	vld.idx.msk [tilespmem:v9+s6+$0x0], $0xffff  }
0xbb: {  	v10 =	vld.idx.msk [tilespmem:v10+s6+$0x0], $0xffff  }
0xbc: {  	v11 =	vld.idx.msk [tilespmem:v11+s6+$0x0], $0xffff  }
0xbd: {  	v3 =	vmul.f32 $3.200000000e+01, v3;
	v17 =	vmul.f32 $3.200000000e+01, v4;
	v12 =	vld.idx.msk [tilespmem:v12+s6+$0x0], $0xffff  }
0xbe: {  	v18 =	vimm.s32 $0xFFFFFFFF;
	v5 =	vmul.f32 $3.200000000e+01, v5;
	v2 =	vmul.f32 $3.200000000e+01, v2;
	v13 =	vld.idx.msk [tilespmem:v13+s6+$0x0], $0xffff  }
0xbf: {  	vm1 =	vlt.u32 v18, $0x20;
	v8 =	vmul.f32 $3.200000000e+01, v8;
	v3 =	vtrunc.f32 v3;
	v19 =	vld.idx.msk [tilespmem:v6+s6+$0x0], $0xffff  }
0xc0: {  	v4 =	vimm.s32 $0x0;
	v17 =	vtrunc.f32 v17;
	v5 =	vtrunc.f32 v5;
	v20 =	vld.idx.msk [tilespmem:v7+s6+$0x0], $0xffff  }
0xc1: {  	vm0 =	vlt.u32 v18, $0x20;
	v2 =	vtrunc.f32 v2;
	v8 =	vtrunc.f32 v8  }
0xc2: {  	v7 =	vcvt.f32.s32 v2;
	v2 =	vcvt.f32.s32 v3;
	v21 =	vmul.u32 $0x1020408, v9;
	v9 =	vld.idx.msk [tilespmem:v16+s6+$0x0], $0xffff  }
0xc3: {  	v3 =	vcvt.f32.s32 v17;
	v6 =	vcvt.f32.s32 v5;
	v16 =	vmul.u32 $0x1020408, v10;
	v10 =	vld.idx.msk [tilespmem:v14+s6+$0x0], $0xffff  }
0xc4: {  	v5 =	vcvt.f32.s32 v8;
	v14 =	vmul.u32 $0x1020408, v11;
	v11 =	vld.idx.msk [tilespmem:v15+s6+$0x0], $0xffff;
	v17 =	vmul.u32 $0x1020408, v13  }
0xc5: {  	[tilespmem:v4+s28+$0x0] =	vst.idx.add.f32.msk vm1, v1;
	v18 =	vmul.u32 $0x1020408, v19;
	v12 =	vmul.u32 $0x1020408, v12;
	v13 =	vmul.u32 $0x1020408, v20  }
0xc6: {  	[tilespmem:v4+s28+$0x0] =	vst.idx.add.f32.msk vm1, v1;
	v8 =	vshrl.u32 v16, $0xF;
	v14 =	vshrl.u32 v14, $0xF;
	v15 =	vshrl.u32 v21, $0x13  }
0xc7: {  	[tilespmem:v4+s28+$0x0] =	vst.idx.add.f32.msk vm1, v1;
	v17 =	vshrl.u32 v17, $0xF;
	v12 =	vshrl.u32 v12, $0x13;
	v8 =	vand.u32 $0x1E00, v8  }
0xc8: {  	s5 =	simm.s32 $0x140;
	v14 =	vand.u32 $0x1E00, v14;
	v16 =	vand.u32 $0x1E0, v15;
	v15 =	vshrl.u32 v18, $0x13;
	[tilespmem:v4+s28+$0x0] =	vst.idx.add.f32.msk vm1, v1  }
.LBB2_7:
0xc9: {  	s20 =	sshra.s32 s5, $0x2;
	p1 =	sne.s32 s5, $0x1E00;
	s5 =	sadd.s32 $0x140, s5;
	v9 =	vmul.u32 $0x1020408, v9;
	v10 =	vmul.u32 $0x1020408, v10;
	v14 =	vor.u32 v16, v14;
	[tilespmem:v4+s28+$0x0] =	vst.idx.add.f32.msk vm0, v1;
	v16 =	vmovc v7  }
0xca: {  	v4 =	vand.u32 $0x1E00, v17;
	v11 =	vmul.u32 $0x1020408, v11;
	v15 =	vand.u32 $0x1E0, v15;
	v18 =	vld [tilespmem:s20+$0x1CF40]  }
0xcb: {  	v13 =	vshrl.u32 v13, $0xF;
	v17 =	vld [tilespmem:s20+$0x1CF20];
	v9 =	vshrl.u32 v9, $0x13;
	v10 =	vshrl.u32 v10, $0x13  }
0xcc: {  	v11 =	vshrl.u32 v11, $0xF;
	v19 =	vld [tilespmem:s20+$0x1CF30];
	v9 =	vand.u32 $0x1E0, v9;
	v10 =	vand.u32 $0x1E0, v10  }
0xcd: {  	v20 =	vld [tilespmem:s20+$0x1CF00];
	v4 =	vor.u32 v9, v4;
	v9 =	vand.u32 $0x1E00, v11;
	v11 =	vand.u32 $0x1E0, v12  }
0xce: {  	v12 =	vld [tilespmem:s20+$0x1BF20];
	v21 =	vor.u32 v6, v4;
	v4 =	vor.u32 v10, v9;
	v9 =	vand.u32 $0x1E00, v13  }
0xcf: {  	v8 =	vor.u32 v11, v8;
	v10 =	vld [tilespmem:s20+$0x1AF20];
	v13 =	vor.u32 v5, v4;
	v4 =	vor.u32 v15, v9  }
0xd0: {  	v22 =	vor.u32 v3, v14;
	v9 =	vld [tilespmem:s20+$0x1CF10];
	v15 =	vor.u32 v2, v4;
	v4 =	vor.u32 v7, v8  }
0xd1: {  	v7 =	vmul.f32 $3.200000000e+01, v17;
	v8 =	vld [tilespmem:s20+$0x1BF30];
	v11 =	vmul.f32 $3.200000000e+01, v19  }
0xd2: {  	v18 =	vmul.f32 $3.200000000e+01, v18;
	v14 =	vmul.f32 $3.200000000e+01, v20;
	v17 =	vld [tilespmem:s20+$0x1AF40]  }
0xd3: {  	v19 =	vtrunc.f32 v7;
	v7 =	vld [tilespmem:s20+$0x1AF30];
	v11 =	vtrunc.f32 v11  }
0xd4: {  	v18 =	vtrunc.f32 v18;
	v14 =	vtrunc.f32 v14;
	v20 =	vld [tilespmem:s20+$0x1BF40]  }
0xd5: {  	v23 =	vld [tilespmem:s20+$0x1AF00];
	v9 =	vmul.f32 $3.200000000e+01, v9  }
0xd6: {  	v24 =	vld [tilespmem:s20+$0x1BF10]  }
0xd7: {  	v25 =	vld [tilespmem:s20+$0x1AF10];
	v26 =	vtrunc.f32 v9  }
0xd8: {  	v9 =	vld [tilespmem:s20+$0x1BF00]  }
0xd9: {  	v8 =	vld.idx.msk [tilespmem:v8+s6+$0x0], $0xffff  }
0xda: {  	v17 =	vld.idx.msk [tilespmem:v17+s6+$0x0], $0xffff  }
0xdb: {  	v27 =	vld.idx.msk [tilespmem:v7+s6+$0x0], $0xffff  }
0xdc: {  	v20 =	vld.idx.msk [tilespmem:v20+s6+$0x0], $0xffff  }
0xdd: {  	vm1 =	vlt.u32 v6, $0x20;
	v23 =	vld.idx.msk [tilespmem:v23+s6+$0x0], $0xffff  }
0xde: {  	vm2 =	vlt.u32 v5, $0x20;
	v12 =	vld.idx.msk [tilespmem:v12+s6+$0x0], $0xffff  }
0xdf: {  	vm3 =	vlt.u32 v2, $0x20;
	v7 =	vcvt.f32.s32 v18;
	v8 =	vmul.u32 $0x1020408, v8;
	v28 =	vld.idx.msk [tilespmem:v10+s6+$0x0], $0xffff  }
0xe0: {  	vm4 =	vlt.u32 v3, $0x20;
	v2 =	vcvt.f32.s32 v19;
	v17 =	vmul.u32 $0x1020408, v17;
	v9 =	vld.idx.msk [tilespmem:v9+s6+$0x0], $0xffff  }
0xe1: {  	vm0 =	vlt.u32 v16, $0x20;
	v3 =	vcvt.f32.s32 v11;
	v18 =	vmul.u32 $0x1020408, v27;
	v10 =	vld.idx.msk [tilespmem:v24+s6+$0x0], $0xffff  }
.Ltmp2:
0xe2: {  	v6 =	vcvt.f32.s32 v14;
	v5 =	vcvt.f32.s32 v26;
	v14 =	vshrl.u32 v17, $0xF;
	v11 =	vld.idx.msk [tilespmem:v25+s6+$0x0], $0xffff;
	(pc) =	sbr.rel @p1 .LBB2_7-.Ltmp2, $4  }
0xe3: {  	v17 =	vshrl.u32 v8, $0x13;
	v16 =	vshrl.u32 v18, $0xF;
	v8 =	vand.u32 $0x1E00, v14;
	[tilespmem:v21+s28+$0x0] =	vst.idx.add.f32.msk vm1, v1  }
0xe4: {  	v19 =	vmul.u32 $0x1020408, v20;
	v18 =	vmul.u32 $0x1020408, v23;
	v12 =	vmul.u32 $0x1020408, v12;
	[tilespmem:v13+s28+$0x0] =	vst.idx.add.f32.msk vm2, v1  }
0xe5: {  	v14 =	vand.u32 $0x1E00, v16;
	v16 =	vand.u32 $0x1E0, v17;
	v13 =	vmul.u32 $0x1020408, v28;
	[tilespmem:v15+s28+$0x0] =	vst.idx.add.f32.msk vm3, v1  }
0xe6: {  	v17 =	vshrl.u32 v18, $0xF;
	v15 =	vshrl.u32 v12, $0x13;
	v12 =	vshrl.u32 v19, $0x13;
	[tilespmem:v22+s28+$0x0] =	vst.idx.add.f32.msk vm4, v1  }
0xe7: {  	v9 =	vmul.u32 $0x1020408, v9  }
0xe8: {  	v10 =	vmul.u32 $0x1020408, v10;
	v14 =	vor.u32 v16, v14;
	v56 =	vand.u32 $0x1E00, v17  }
0xe9: {  	v11 =	vmul.u32 $0x1020408, v11;
	v15 =	vand.u32 $0x1E0, v15;
	v13 =	vshrl.u32 v13, $0xF  }
0xea: {  	vm1 =	vlt.u32 v6, $0x20;
	vm2 =	vlt.u32 v5, $0x20;
	v9 =	vshrl.u32 v9, $0x13  }
0xeb: {  	v10 =	vshrl.u32 v10, $0x13;
	v11 =	vshrl.u32 v11, $0xF;
	v9 =	vand.u32 $0x1E0, v9  }
0xec: {  	v10 =	vand.u32 $0x1E0, v10;
	v11 =	vand.u32 $0x1E00, v11;
	v9 =	vor.u32 v9, v56  }
0xed: {  	v58 =	vand.u32 $0x1E00, v13;
	v57 =	vor.u32 v10, v11;
	v9 =	vor.u32 v6, v9  }
0xee: {  	vm3 =	vlt.u32 v2, $0x20;
	v60 =	vor.u32 v15, v58;
	v59 =	vor.u32 v5, v57  }
0xef: {  	v61 =	vand.u32 $0x1E0, v12;
	vm4 =	vlt.u32 v3, $0x20;
	v2 =	vor.u32 v2, v60  }
0xf0: {  	vm5 =	vlt.u32 v7, $0x20;
	s19 =	sadd.s32 $0x1, s19;
	v62 =	vor.u32 v61, v8;
	v3 =	vor.u32 v3, v14  }
0xf1: {  	[tilespmem:v4+s28+$0x0] =	vst.idx.add.f32.msk vm0, v1;
	p1 =	sne.s32 s19, $0x19;
	v63 =	vor.u32 v7, v62  }
.Ltmp3:
0xf2: {  	[tilespmem:v9+s28+$0x0] =	vst.idx.add.f32.msk vm1, v1;
	(pc) =	sbr.rel @p1 .LBB2_4-.Ltmp3, $4  }
0xf3: {  	[tilespmem:v59+s28+$0x0] =	vst.idx.add.f32.msk vm2, v1  }
0xf4: {  	[tilespmem:v2+s28+$0x0] =	vst.idx.add.f32.msk vm3, v1  }
0xf5: {  	[tilespmem:v3+s28+$0x0] =	vst.idx.add.f32.msk vm4, v1  }
0xf6: {  	[tilespmem:v63+s28+$0x0] =	vst.idx.add.f32.msk vm5, v1  }
0xf7: {  	s0 =	sadd.s32 $0x1, s0  }
0xf8: {  	p1 =	sne.s32 s0, s18  }
.Ltmp4:
0xf9: {  	s4 =	simm.s32 $0x80;
	(pc) =	sbr.rel @p1 .LBB2_1-.Ltmp4, $4  }
0xfa: {  	[hbm4b:s17+s4] =	stream.strided.scatter [tilespmem:s28], [sflag:$0x4], $0x2000, s31, s4, $0x38;
	[tilespmem:$0x1EF70] =	vst v63  }
0xfb: {  	_ =	swait.ge [sflag:s22], $0x2000  }
0xfc: {  	[sflag:s22] =	ssyncset.done $0x0  }
0xfd: {  	[sflag:s22] =	ssyncadd.s32 $0xFFFFE000  }
0xfe: {  	_ =	sfence.sel $0x180000  }
0xff: {  	[bflag:$0x0] =	sbarrier.arrive $0xFFFF  }
0x100: {  	_ =	strace $0x90000047  }
0x101: {  	s0 =	stileid.u32;
	[bflag:$0x2] =	sbarrier.arrive $0xFFFF  }
0x102: {  	p0 =	sne.s32 s0, $0x0;
	s0 =	rddreg [dreg:$0x5]  }
0x103: {  	s0 =	sadd.s32 @!p0 $0x100000, s0  }
0x104: {  	[sflag:s0] =	ssyncadd.tile.s32 @!p0 $0x1;
	_ =	shalt  }
.Lfunc_end2:
_tile_overlayer_lowered:
.L_overlay_start_2:
0x105: {  	(tag) =	ssettag $0x2  }
0x106: {  	s0 =	rddreg [dreg:$0x0];
	s2 =	stileid.u32  }
0x107: {  	s1 =	rddreg [dreg:$0x1];
	p0 =	sne.s32 s2, $0x0  }
0x108: {  	s3 =	rddreg [dreg:$0x2];
	[bflag:$0x3] =	sbarrier.arrive $0xFFFF;
	s2 =	simm.s32 @!p0 $0x1C04  }
0x109: {  	[timem:s3], [sflag:s2] =	dma.local @!p0 [hbm:s0], s1  }
0x10a: {  	s0 =	simm.s32 @!p0 $0x4  }
0x10b: {  	_ =	swait.ge @!p0 [sflag:s0], s1  }
0x10c: {  	s1 =	ssub.s32 @!p0 $0x0, s1;
	[sflag:s0] =	ssyncset.done @!p0 $0x0  }
0x10d: {  	[sflag:s0] =	ssyncadd.s32 @!p0 s1  }
0x10e: {  	[bflag:$0x3] =	sbarrier.arrive $0xFFFF  }
0x10f: {  	_ =	shalt  }

</sc_bundles>
